<compile_context>
chip_gen: v7x
topology: tpu7x:2x2x1
jax: 0.10.2.dev20260603
libtpu: 0.0.44.dev20260713+nightly
codegen_flags: <defaults>
</compile_context>

<pallas_src>
import functools

import jax
import jax.numpy as jnp
from jax import lax
from jax.experimental import pallas as pl
from jax.experimental.pallas import tpu as pltpu
from jax.experimental.pallas import tpu_sc as plsc

N = 10000
D = 128
BOT = 32
L = 3
EPS = 1e-5

N_PAD = 10240
BS = 1024
GRID = N_PAD // BS
NSC = 2
NSUB = 16
TILES = NSC * NSUB
CH = 128
ROWS_PER_SUB = N_PAD // NSUB
DEG_W = 128

@functools.cache
def _mesh():
    return plsc.VectorSubcoreMesh(core_axis_name="core",
                                  subcore_axis_name="subcore")


def _sc_degree(dst3, ones8, zeros8):
    k = dst3.shape[1]

    @functools.partial(
        pl.kernel,
        out_type=jax.ShapeDtypeStruct((NSC, N_PAD, DEG_W), jnp.float32),
        mesh=_mesh(),
        scratch_types=[
            pltpu.VMEM_SHARED((N_PAD, DEG_W), jnp.float32),
            pltpu.VMEM((k, CH), jnp.int32),
            pltpu.VMEM((CH, DEG_W), jnp.float32),
        ],
    )
    def kfn(dst_hbm, ones_hbm, zeros_hbm, out_hbm, acc, idx_v, ones_v):
        c = lax.axis_index("core")
        s = lax.axis_index("subcore")
        t = c * NSUB + s
        r0 = s * ROWS_PER_SUB
        pltpu.sync_copy(zeros_hbm.at[pl.ds(r0, ROWS_PER_SUB)],
                        acc.at[pl.ds(r0, ROWS_PER_SUB)])
        pltpu.sync_copy(dst_hbm.at[t], idx_v)
        pltpu.sync_copy(ones_hbm, ones_v)
        plsc.subcore_barrier()

        @pl.loop(0, k)
        def _(j):
            pltpu.sync_copy(ones_v, acc.at[idx_v.at[j]], add=True)

        plsc.subcore_barrier()
        pltpu.sync_copy(acc.at[pl.ds(r0, ROWS_PER_SUB)],
                        out_hbm.at[c].at[pl.ds(r0, ROWS_PER_SUB)])

    return kfn(dst3, ones8, zeros8)


def _sc_aggregate(hwp, src3, dst3, zerosD):
    k = src3.shape[1]

    @functools.partial(
        pl.kernel,
        out_type=jax.ShapeDtypeStruct((NSC, N_PAD, D), jnp.float32),
        mesh=_mesh(),
        scratch_types=[
            pltpu.VMEM_SHARED((N_PAD, D), jnp.float32),
            pltpu.VMEM((k, CH), jnp.int32),
            pltpu.VMEM((k, CH), jnp.int32),
            pltpu.VMEM((CH, D), jnp.float32),
        ],
    )
    def kfn(hwp_hbm, src_hbm, dst_hbm, zeros_hbm, out_hbm,
            acc, src_v, dst_v, rows_v):
        c = lax.axis_index("core")
        s = lax.axis_index("subcore")
        t = c * NSUB + s
        r0 = s * ROWS_PER_SUB
        pltpu.sync_copy(zeros_hbm.at[pl.ds(r0, ROWS_PER_SUB)],
                        acc.at[pl.ds(r0, ROWS_PER_SUB)])
        pltpu.sync_copy(src_hbm.at[t], src_v)
        pltpu.sync_copy(dst_hbm.at[t], dst_v)
        plsc.subcore_barrier()

        @pl.loop(0, k)
        def _(j):
            pltpu.sync_copy(hwp_hbm.at[src_v.at[j]], rows_v)
            pltpu.sync_copy(rows_v, acc.at[dst_v.at[j]], add=True)

        plsc.subcore_barrier()
        pltpu.sync_copy(acc.at[pl.ds(r0, ROWS_PER_SUB)],
                        out_hbm.at[c].at[pl.ds(r0, ROWS_PER_SUB)])

    return kfn(hwp, src3, dst3, zerosD)


def _dis_block(degp, pid):
    deg = degp[0, :, 0:1] + degp[1, :, 0:1] + 1.0
    dis = lax.rsqrt(deg)
    rid = lax.broadcasted_iota(jnp.int32, (BS, 1), 0) + pid * BS
    return jnp.where(rid < N, dis, 0.0)


def _tc_pre(xpad, degp, W0):
    def body(x_ref, degp_ref, w_ref, o_ref):
        dis = _dis_block(degp_ref[...], pl.program_id(0))
        hw = jnp.dot(x_ref[...], w_ref[...], preferred_element_type=jnp.float32)
        o_ref[...] = hw * dis

    return pl.pallas_call(
        body,
        grid=(GRID,),
        in_specs=[
            pl.BlockSpec((BS, D), lambda i: (i, 0)),
            pl.BlockSpec((2, BS, DEG_W), lambda i: (0, i, 0)),
            pl.BlockSpec((D, D), lambda i: (0, 0)),
        ],
        out_specs=pl.BlockSpec((BS, D), lambda i: (i, 0)),
        out_shape=jax.ShapeDtypeStruct((N_PAD, D), jnp.float32),
    )(xpad, degp, W0)


def _tc_post(accp, hwp, degp, bi, gi, bti, rmi, rvi, a1, ab1i, a2, ab2i, Wn):
    last = Wn is None

    def body(*refs):
        if last:
            (accp_ref, hwp_ref, degp_ref, b_ref, g_ref, bt_ref, rm_ref,
             rv_ref, a1_ref, ab1_ref, a2_ref, ab2_ref, o_ref) = refs
        else:
            (accp_ref, hwp_ref, degp_ref, b_ref, g_ref, bt_ref, rm_ref,
             rv_ref, a1_ref, ab1_ref, a2_ref, ab2_ref, wn_ref, o_ref) = refs
        dis = _dis_block(degp_ref[...], pl.program_id(0))
        agg = accp_ref[0] + accp_ref[1]
        t = (agg + hwp_ref[...]) * dis + b_ref[...]
        inv = lax.rsqrt(rv_ref[...] + EPS)
        t = (t - rm_ref[...]) * (g_ref[...] * inv) + bt_ref[...]
        a = jnp.maximum(
            jnp.dot(t, a1_ref[...], preferred_element_type=jnp.float32)
            + ab1_ref[...], 0.0)
        t = t + jnp.dot(a, a2_ref[...], preferred_element_type=jnp.float32) \
            + ab2_ref[...]
        if last:
            o_ref[...] = t
        else:
            t = jnp.maximum(t, 0.0)
            o_ref[...] = jnp.dot(
                t, wn_ref[...], preferred_element_type=jnp.float32) * dis

    in_specs = [
        pl.BlockSpec((2, BS, D), lambda i: (0, i, 0)),
        pl.BlockSpec((BS, D), lambda i: (i, 0)),
        pl.BlockSpec((2, BS, DEG_W), lambda i: (0, i, 0)),
        pl.BlockSpec((1, D), lambda i: (0, 0)),
        pl.BlockSpec((1, D), lambda i: (0, 0)),
        pl.BlockSpec((1, D), lambda i: (0, 0)),
        pl.BlockSpec((1, D), lambda i: (0, 0)),
        pl.BlockSpec((1, D), lambda i: (0, 0)),
        pl.BlockSpec((D, BOT), lambda i: (0, 0)),
        pl.BlockSpec((1, BOT), lambda i: (0, 0)),
        pl.BlockSpec((BOT, D), lambda i: (0, 0)),
        pl.BlockSpec((1, D), lambda i: (0, 0)),
    ]
    args = [accp, hwp, degp, bi, gi, bti, rmi, rvi, a1, ab1i, a2, ab2i]
    if not last:
        in_specs.append(pl.BlockSpec((D, D), lambda i: (0, 0)))
        args.append(Wn)

    return pl.pallas_call(
        body,
        grid=(GRID,),
        in_specs=in_specs,
        out_specs=pl.BlockSpec((BS, D), lambda i: (i, 0)),
        out_shape=jax.ShapeDtypeStruct((N_PAD, D), jnp.float32),
    )(*args)


def kernel(x, edge_index, W, b, gamma, beta, rmean, rvar, aw1, ab1, aw2, ab2):
    E = edge_index.shape[1]
    k = -(-E // (TILES * CH))
    E_PAD = TILES * CH * k

    xpad = jnp.pad(x, ((0, N_PAD - N), (0, 0)))
    pad = jnp.full((E_PAD - E,), N, dtype=jnp.int32)
    src3 = jnp.concatenate([edge_index[0], pad]).reshape(TILES, k, CH)
    dst3 = jnp.concatenate([edge_index[1], pad]).reshape(TILES, k, CH)

    zerosD = jnp.zeros((N_PAD, D), jnp.float32)
    ones8 = jnp.ones((CH, DEG_W), jnp.float32)
    zeros8 = zerosD

    degp = _sc_degree(dst3, ones8, zeros8)
    hwp = _tc_pre(xpad, degp, W[0])

    row = lambda v: v.reshape(1, -1)
    for i in range(L):
        accp = _sc_aggregate(hwp, src3, dst3, zerosD)
        Wn = W[i + 1] if i < L - 1 else None
        hwp = _tc_post(accp, hwp, degp,
                       row(b[i]), row(gamma[i]), row(beta[i]),
                       row(rmean[i]), row(rvar[i]),
                       aw1[i], row(ab1[i]), aw2[i], row(ab2[i]), Wn)
    return hwp[:N]

# --- scband reference (transcript-rebuilt; emitter-appended) ---
"""Pipeline reference for scband-gnnencoder-with-adapters-41515153883616 (READ-ONLY COPY).

The authoritative reference and input builder live on the scoring server;
editing this copy changes nothing except your own understanding.
"""

import jax, jax.numpy as jnp
import numpy as np

N = 10000
E = 320000
D = 128
BOT = 32
L = 3


def setup_inputs(seed: int = 0) -> dict:
    key = jax.random.key(seed)
    ks = jax.random.split(key, 8)
    x = jax.random.normal(ks[0], (N, D), dtype=jnp.float32)
    edge_index = jax.random.randint(ks[1], (2, E), 0, N, dtype=jnp.int32)
    W = jax.random.normal(ks[2], (L, D, D), dtype=jnp.float32) * (1.0 / np.sqrt(D))
    b = jnp.zeros((L, D), dtype=jnp.float32)
    gamma = jnp.ones((L, D), dtype=jnp.float32)
    beta = jnp.zeros((L, D), dtype=jnp.float32)
    rmean = jnp.zeros((L, D), dtype=jnp.float32)
    rvar = jnp.ones((L, D), dtype=jnp.float32)
    aw1 = jax.random.normal(ks[3], (L, D, BOT), dtype=jnp.float32) * (1.0 / np.sqrt(D))
    ab1 = jnp.zeros((L, BOT), dtype=jnp.float32)
    aw2 = jax.random.normal(ks[4], (L, BOT, D), dtype=jnp.float32) * 0.01
    ab2 = jnp.zeros((L, D), dtype=jnp.float32)
    return {"x": x, "edge_index": edge_index, "W": W, "b": b,
            "gamma": gamma, "beta": beta, "rmean": rmean, "rvar": rvar,
            "aw1": aw1, "ab1": ab1, "aw2": aw2, "ab2": ab2}


def reference(x, edge_index, W, b, gamma, beta, rmean, rvar, aw1, ab1, aw2, ab2):
    # GCN conv stack (base_encoder.convs) + BatchNorm1d (eval: running stats) + adapters.
    # Dropout is identity in eval mode.
    src = edge_index[0]
    dst = edge_index[1]
    loops = jnp.arange(N, dtype=src.dtype)
    s = jnp.concatenate([src, loops])  # add self-loops (GCNConv default)
    d = jnp.concatenate([dst, loops])
    deg = jnp.zeros((N,), dtype=x.dtype).at[d].add(1.0)
    dis = jnp.where(deg > 0, 1.0 / jnp.sqrt(deg), 0.0)
    norm = (dis[s] * dis[d])[:, None]
    eps = 1e-5
    h = x
    for i in range(L):
        # conv: linear transform, gather by src, normalize, scatter-add to dst
        hw = h @ W[i]
        msg = hw[s] * norm            # gather (SparseCore)
        h = jnp.zeros((N, D), dtype=x.dtype).at[d].add(msg) + b[i]  # scatter-add
        # batch norm (eval mode, running stats)
        h = (h - rmean[i]) / jnp.sqrt(rvar[i] + eps) * gamma[i] + beta[i]
        # adapter: x + Linear(ReLU(Linear(x)))
        a = jnp.maximum(h @ aw1[i] + ab1[i], 0.0)
        h = h + (a @ aw2[i] + ab2[i])
        if i < L - 1:
            h = jnp.maximum(h, 0.0)  # relu; dropout identity in eval
    return h

if __name__ == "__main__":
    import jax
    _d = setup_inputs()
    print(jax.jit(kernel)(*tuple(_d.values())))

</pallas_src>

<mosaic_0001>
#map = affine_map<(d0, d1) -> (0, 0, 0)>
#map1 = affine_map<(d0, d1) -> (0, 0)>
module attributes {stable_mosaic.version = 14 : i64} {
  func.func @kfn(%arg0: i32, %arg1: i32, %arg2: memref<32x79x128xi32, #tpu.memory_space<hbm>>, %arg3: memref<128x128xf32, #tpu.memory_space<hbm>>, %arg4: memref<10240x128xf32, #tpu.memory_space<hbm>>, %arg5: memref<2x10240x128xf32, #tpu.memory_space<hbm>>, %arg6: memref<10240x128xf32, #tpu.memory_space<vmem_shared>>, %arg7: memref<79x128xi32, #tpu.memory_space<vmem>>, %arg8: memref<128x128xf32, #tpu.memory_space<vmem>>) attributes {dimension_semantics = [#tpu.dimension_semantics<core_parallel>, #tpu.dimension_semantics<subcore_parallel>], iteration_bounds = array<i64: 2, 16>, scalar_prefetch = 0 : i64, scratch_operands = 3 : i64, tpu.core_type = #tpu.core_type<sc_vector_subcore>, window_params = [{transform_indices = #map}, {transform_indices = #map1}, {transform_indices = #map1}, {transform_indices = #map}]} {
    %mul3A = arith.constant 16 : i32
    %mul3A_0 = arith.muli %arg0, %mul3A : i32
    %add3A = arith.addi %mul3A_0, %arg1 : i32
    %mul3A_1 = arith.constant 640 : i32
    %mul3A_2 = arith.muli %arg1, %mul3A_1 : i32
    "tpu.region"() ({
      %run_scoped3A = tpu.sem_alloc : memref<!tpu.dma_semaphore, #tpu.memory_space<semaphore_mem>>
      %dma_start3A = arith.constant 0 : i32
      %dma_start3A_8 = tpu.memref_slice %arg6[%mul3A_2, %dma_start3A] : memref<10240x128xf32, #tpu.memory_space<vmem_shared>> -> memref<640x128xf32, #tpu.memory_space<vmem_shared>>
      %dma_start3A_9 = arith.constant 0 : i32
      %dma_start3A_10 = tpu.memref_slice %arg4[%mul3A_2, %dma_start3A_9] : memref<10240x128xf32, #tpu.memory_space<hbm>> -> memref<640x128xf32, #tpu.memory_space<hbm>>
      tpu.enqueue_dma source(%dma_start3A_10 : memref<640x128xf32, #tpu.memory_space<hbm>>) target(%dma_start3A_8 : memref<640x128xf32, #tpu.memory_space<vmem_shared>>) target_semaphore(%run_scoped3A : memref<!tpu.dma_semaphore, #tpu.memory_space<semaphore_mem>>)
      %dma_wait3A = arith.constant 0 : i32
      %dma_wait3A_11 = tpu.memref_slice %arg6[%mul3A_2, %dma_wait3A] : memref<10240x128xf32, #tpu.memory_space<vmem_shared>> -> memref<640x128xf32, #tpu.memory_space<vmem_shared>>
      %dma_wait3A_12 = arith.constant 0 : i32
      %dma_wait3A_13 = tpu.memref_slice %arg4[%mul3A_2, %dma_wait3A_12] : memref<10240x128xf32, #tpu.memory_space<hbm>> -> memref<640x128xf32, #tpu.memory_space<hbm>>
      tpu.wait_dma2 semaphore(%run_scoped3A : memref<!tpu.dma_semaphore, #tpu.memory_space<semaphore_mem>>) src(%dma_wait3A_13 : memref<640x128xf32, #tpu.memory_space<hbm>>) dst(%dma_wait3A_11 : memref<640x128xf32, #tpu.memory_space<vmem_shared>>)
      tpu.yield
    }) : () -> ()
    "tpu.region"() ({
      %run_scoped3A = tpu.sem_alloc : memref<!tpu.dma_semaphore, #tpu.memory_space<semaphore_mem>>
      %dma_start3A = arith.constant 0 : i32
      %dma_start3A_8 = arith.constant 0 : i32
      %dma_start3A_9 = tpu.memref_slice %arg2[%add3A, %dma_start3A, %dma_start3A_8] : memref<32x79x128xi32, #tpu.memory_space<hbm>> -> memref<1x79x128xi32, #tpu.memory_space<hbm>>
      %dma_start3A_10 = tpu.memref_squeeze %dma_start3A_9 : memref<1x79x128xi32, #tpu.memory_space<hbm>> -> memref<79x128xi32, #tpu.memory_space<hbm>>
      %dma_start3A_11 = arith.constant 0 : i32
      %dma_start3A_12 = arith.constant 0 : i32
      %dma_start3A_13 = tpu.memref_slice %arg2[%add3A, %dma_start3A_11, %dma_start3A_12] : memref<32x79x128xi32, #tpu.memory_space<hbm>> -> memref<1x79x128xi32, #tpu.memory_space<hbm>>
      %dma_start3A_14 = tpu.memref_squeeze %dma_start3A_13 : memref<1x79x128xi32, #tpu.memory_space<hbm>> -> memref<79x128xi32, #tpu.memory_space<hbm>>
      tpu.enqueue_dma source(%dma_start3A_14 : memref<79x128xi32, #tpu.memory_space<hbm>>) target(%arg7 : memref<79x128xi32, #tpu.memory_space<vmem>>) target_semaphore(%run_scoped3A : memref<!tpu.dma_semaphore, #tpu.memory_space<semaphore_mem>>)
      %dma_wait3A = arith.constant 0 : i32
      %dma_wait3A_15 = arith.constant 0 : i32
      %dma_wait3A_16 = tpu.memref_slice %arg2[%add3A, %dma_wait3A, %dma_wait3A_15] : memref<32x79x128xi32, #tpu.memory_space<hbm>> -> memref<1x79x128xi32, #tpu.memory_space<hbm>>
      %dma_wait3A_17 = tpu.memref_squeeze %dma_wait3A_16 : memref<1x79x128xi32, #tpu.memory_space<hbm>> -> memref<79x128xi32, #tpu.memory_space<hbm>>
      %dma_wait3A_18 = arith.constant 0 : i32
      %dma_wait3A_19 = arith.constant 0 : i32
      %dma_wait3A_20 = tpu.memref_slice %arg2[%add3A, %dma_wait3A_18, %dma_wait3A_19] : memref<32x79x128xi32, #tpu.memory_space<hbm>> -> memref<1x79x128xi32, #tpu.memory_space<hbm>>
      %dma_wait3A_21 = tpu.memref_squeeze %dma_wait3A_20 : memref<1x79x128xi32, #tpu.memory_space<hbm>> -> memref<79x128xi32, #tpu.memory_space<hbm>>
      tpu.wait_dma2 semaphore(%run_scoped3A : memref<!tpu.dma_semaphore, #tpu.memory_space<semaphore_mem>>) src(%dma_wait3A_21 : memref<79x128xi32, #tpu.memory_space<hbm>>) dst(%arg7 : memref<79x128xi32, #tpu.memory_space<vmem>>)
      tpu.yield
    }) : () -> ()
    "tpu.region"() ({
      %run_scoped3A = tpu.sem_alloc : memref<!tpu.dma_semaphore, #tpu.memory_space<semaphore_mem>>
      tpu.enqueue_dma source(%arg3 : memref<128x128xf32, #tpu.memory_space<hbm>>) target(%arg8 : memref<128x128xf32, #tpu.memory_space<vmem>>) target_semaphore(%run_scoped3A : memref<!tpu.dma_semaphore, #tpu.memory_space<semaphore_mem>>)
      tpu.wait_dma2 semaphore(%run_scoped3A : memref<!tpu.dma_semaphore, #tpu.memory_space<semaphore_mem>>) src(%arg3 : memref<128x128xf32, #tpu.memory_space<hbm>>) dst(%arg8 : memref<128x128xf32, #tpu.memory_space<vmem>>)
      tpu.yield
    }) : () -> ()
    %barrier3A = arith.constant 0 : index
    tpu.barrier barrier_id(%barrier3A)
    %scan3A = arith.constant 0 : i32
    %scan3A_3 = arith.constant 79 : i32
    %scan3A_4 = arith.addi %scan3A, %scan3A_3 : i32
    %scan3A_5 = arith.constant 1 : i32
    scf.for %scan3A_8 = %scan3A to %scan3A_4 step %scan3A_5  : i32 {
      %mul3A_9 = arith.constant 1 : i32
      %mul3A_10 = arith.muli %scan3A_8, %mul3A_9 : i32
      %add3A_11 = arith.constant 0 : i32
      %add3A_12 = arith.addi %add3A_11, %mul3A_10 : i32
      "tpu.region"() ({
        %run_scoped3A = tpu.sem_alloc : memref<!tpu.dma_semaphore, #tpu.memory_space<semaphore_mem>>
        %dma_start3A = arith.constant 0 : i32
        %dma_start3A_13 = tpu.memref_slice %arg7[%add3A_12, %dma_start3A] : memref<79x128xi32, #tpu.memory_space<vmem>> -> memref<1x128xi32, #tpu.memory_space<vmem>>
        %dma_start3A_14 = tpu.memref_squeeze %dma_start3A_13 : memref<1x128xi32, #tpu.memory_space<vmem>> -> memref<128xi32, #tpu.memory_space<vmem>>
        %dma_start3A_15 = arith.constant 0 : i32
        %dma_start3A_16 = arith.constant 0 : i32
        %dma_start3A_17 = tpu.memref_slice %arg6[%dma_start3A_15, %dma_start3A_16] : memref<10240x128xf32, #tpu.memory_space<vmem_shared>> -> memref<10240x128xf32, #tpu.memory_space<vmem_shared>>
        tpu.enqueue_indirect_dma source(%arg8 : memref<128x128xf32, #tpu.memory_space<vmem>>) target(%dma_start3A_17 : memref<10240x128xf32, #tpu.memory_space<vmem_shared>>) offsets(%dma_start3A_14 : memref<128xi32, #tpu.memory_space<vmem>>) semaphore(%run_scoped3A : memref<!tpu.dma_semaphore, #tpu.memory_space<semaphore_mem>>) {add = true}
        %dma_wait3A = arith.constant 0 : i32
        %dma_wait3A_18 = tpu.memref_slice %arg7[%add3A_12, %dma_wait3A] : memref<79x128xi32, #tpu.memory_space<vmem>> -> memref<1x128xi32, #tpu.memory_space<vmem>>
        %dma_wait3A_19 = tpu.memref_squeeze %dma_wait3A_18 : memref<1x128xi32, #tpu.memory_space<vmem>> -> memref<128xi32, #tpu.memory_space<vmem>>
        %dma_wait3A_20 = arith.constant 0 : i32
        %dma_wait3A_21 = arith.constant 0 : i32
        %dma_wait3A_22 = tpu.memref_slice %arg6[%dma_wait3A_20, %dma_wait3A_21] : memref<10240x128xf32, #tpu.memory_space<vmem_shared>> -> memref<10240x128xf32, #tpu.memory_space<vmem_shared>>
        tpu.wait_indirect_dma semaphore(%run_scoped3A : memref<!tpu.dma_semaphore, #tpu.memory_space<semaphore_mem>>) src(%arg8 : memref<128x128xf32, #tpu.memory_space<vmem>>) dst(%dma_wait3A_22 : memref<10240x128xf32, #tpu.memory_space<vmem_shared>>)
        tpu.yield
      }) : () -> ()
    }
    %scan3A_6 = arith.constant 79 : i32
    %barrier3A_7 = arith.constant 0 : index
    tpu.barrier barrier_id(%barrier3A_7)
    "tpu.region"() ({
      %run_scoped3A = tpu.sem_alloc : memref<!tpu.dma_semaphore, #tpu.memory_space<semaphore_mem>>
      %dma_start3A = arith.constant 0 : i32
      %dma_start3A_8 = arith.constant 0 : i32
      %dma_start3A_9 = tpu.memref_slice %arg5[%arg0, %dma_start3A, %dma_start3A_8] : memref<2x10240x128xf32, #tpu.memory_space<hbm>> -> memref<1x10240x128xf32, #tpu.memory_space<hbm>>
      %dma_start3A_10 = tpu.memref_squeeze %dma_start3A_9 : memref<1x10240x128xf32, #tpu.memory_space<hbm>> -> memref<10240x128xf32, #tpu.memory_space<hbm>>
      %dma_start3A_11 = arith.constant 0 : i32
      %dma_start3A_12 = tpu.memref_slice %dma_start3A_10[%mul3A_2, %dma_start3A_11] : memref<10240x128xf32, #tpu.memory_space<hbm>> -> memref<640x128xf32, #tpu.memory_space<hbm>>
      %dma_start3A_13 = arith.constant 0 : i32
      %dma_start3A_14 = tpu.memref_slice %arg6[%mul3A_2, %dma_start3A_13] : memref<10240x128xf32, #tpu.memory_space<vmem_shared>> -> memref<640x128xf32, #tpu.memory_space<vmem_shared>>
      tpu.enqueue_dma source(%dma_start3A_14 : memref<640x128xf32, #tpu.memory_space<vmem_shared>>) target(%dma_start3A_12 : memref<640x128xf32, #tpu.memory_space<hbm>>) target_semaphore(%run_scoped3A : memref<!tpu.dma_semaphore, #tpu.memory_space<semaphore_mem>>)
      %dma_wait3A = arith.constant 0 : i32
      %dma_wait3A_15 = arith.constant 0 : i32
      %dma_wait3A_16 = tpu.memref_slice %arg5[%arg0, %dma_wait3A, %dma_wait3A_15] : memref<2x10240x128xf32, #tpu.memory_space<hbm>> -> memref<1x10240x128xf32, #tpu.memory_space<hbm>>
      %dma_wait3A_17 = tpu.memref_squeeze %dma_wait3A_16 : memref<1x10240x128xf32, #tpu.memory_space<hbm>> -> memref<10240x128xf32, #tpu.memory_space<hbm>>
      %dma_wait3A_18 = arith.constant 0 : i32
      %dma_wait3A_19 = tpu.memref_slice %dma_wait3A_17[%mul3A_2, %dma_wait3A_18] : memref<10240x128xf32, #tpu.memory_space<hbm>> -> memref<640x128xf32, #tpu.memory_space<hbm>>
      %dma_wait3A_20 = arith.constant 0 : i32
      %dma_wait3A_21 = tpu.memref_slice %arg6[%mul3A_2, %dma_wait3A_20] : memref<10240x128xf32, #tpu.memory_space<vmem_shared>> -> memref<640x128xf32, #tpu.memory_space<vmem_shared>>
      tpu.wait_dma2 semaphore(%run_scoped3A : memref<!tpu.dma_semaphore, #tpu.memory_space<semaphore_mem>>) src(%dma_wait3A_21 : memref<640x128xf32, #tpu.memory_space<vmem_shared>>) dst(%dma_wait3A_19 : memref<640x128xf32, #tpu.memory_space<hbm>>)
      tpu.yield
    }) : () -> ()
    return
  }
}

#map = affine_map<(d0, d1) -> (0, 0)>
#map1 = affine_map<(d0, d1) -> (0, 0, 0)>
module attributes {stable_mosaic.version = 14 : i64} {
  func.func @kfn(%arg0: i32, %arg1: i32, %arg2: memref<10240x128xf32, #tpu.memory_space<hbm>>, %arg3: memref<32x79x128xi32, #tpu.memory_space<hbm>>, %arg4: memref<32x79x128xi32, #tpu.memory_space<hbm>>, %arg5: memref<10240x128xf32, #tpu.memory_space<hbm>>, %arg6: memref<2x10240x128xf32, #tpu.memory_space<hbm>>, %arg7: memref<10240x128xf32, #tpu.memory_space<vmem_shared>>, %arg8: memref<79x128xi32, #tpu.memory_space<vmem>>, %arg9: memref<79x128xi32, #tpu.memory_space<vmem>>, %arg10: memref<128x128xf32, #tpu.memory_space<vmem>>) attributes {dimension_semantics = [#tpu.dimension_semantics<core_parallel>, #tpu.dimension_semantics<subcore_parallel>], iteration_bounds = array<i64: 2, 16>, scalar_prefetch = 0 : i64, scratch_operands = 4 : i64, tpu.core_type = #tpu.core_type<sc_vector_subcore>, window_params = [{transform_indices = #map}, {transform_indices = #map1}, {transform_indices = #map1}, {transform_indices = #map}, {transform_indices = #map1}]} {
    %mul3A = arith.constant 16 : i32
    %mul3A_0 = arith.muli %arg0, %mul3A : i32
    %add3A = arith.addi %mul3A_0, %arg1 : i32
    %mul3A_1 = arith.constant 640 : i32
    %mul3A_2 = arith.muli %arg1, %mul3A_1 : i32
    "tpu.region"() ({
      %run_scoped3A = tpu.sem_alloc : memref<!tpu.dma_semaphore, #tpu.memory_space<semaphore_mem>>
      %dma_start3A = arith.constant 0 : i32
      %dma_start3A_8 = tpu.memref_slice %arg7[%mul3A_2, %dma_start3A] : memref<10240x128xf32, #tpu.memory_space<vmem_shared>> -> memref<640x128xf32, #tpu.memory_space<vmem_shared>>
      %dma_start3A_9 = arith.constant 0 : i32
      %dma_start3A_10 = tpu.memref_slice %arg5[%mul3A_2, %dma_start3A_9] : memref<10240x128xf32, #tpu.memory_space<hbm>> -> memref<640x128xf32, #tpu.memory_space<hbm>>
      tpu.enqueue_dma source(%dma_start3A_10 : memref<640x128xf32, #tpu.memory_space<hbm>>) target(%dma_start3A_8 : memref<640x128xf32, #tpu.memory_space<vmem_shared>>) target_semaphore(%run_scoped3A : memref<!tpu.dma_semaphore, #tpu.memory_space<semaphore_mem>>)
      %dma_wait3A = arith.constant 0 : i32
      %dma_wait3A_11 = tpu.memref_slice %arg7[%mul3A_2, %dma_wait3A] : memref<10240x128xf32, #tpu.memory_space<vmem_shared>> -> memref<640x128xf32, #tpu.memory_space<vmem_shared>>
      %dma_wait3A_12 = arith.constant 0 : i32
      %dma_wait3A_13 = tpu.memref_slice %arg5[%mul3A_2, %dma_wait3A_12] : memref<10240x128xf32, #tpu.memory_space<hbm>> -> memref<640x128xf32, #tpu.memory_space<hbm>>
      tpu.wait_dma2 semaphore(%run_scoped3A : memref<!tpu.dma_semaphore, #tpu.memory_space<semaphore_mem>>) src(%dma_wait3A_13 : memref<640x128xf32, #tpu.memory_space<hbm>>) dst(%dma_wait3A_11 : memref<640x128xf32, #tpu.memory_space<vmem_shared>>)
      tpu.yield
    }) : () -> ()
    "tpu.region"() ({
      %run_scoped3A = tpu.sem_alloc : memref<!tpu.dma_semaphore, #tpu.memory_space<semaphore_mem>>
      %dma_start3A = arith.constant 0 : i32
      %dma_start3A_8 = arith.constant 0 : i32
      %dma_start3A_9 = tpu.memref_slice %arg3[%add3A, %dma_start3A, %dma_start3A_8] : memref<32x79x128xi32, #tpu.memory_space<hbm>> -> memref<1x79x128xi32, #tpu.memory_space<hbm>>
      %dma_start3A_10 = tpu.memref_squeeze %dma_start3A_9 : memref<1x79x128xi32, #tpu.memory_space<hbm>> -> memref<79x128xi32, #tpu.memory_space<hbm>>
      %dma_start3A_11 = arith.constant 0 : i32
      %dma_start3A_12 = arith.constant 0 : i32
      %dma_start3A_13 = tpu.memref_slice %arg3[%add3A, %dma_start3A_11, %dma_start3A_12] : memref<32x79x128xi32, #tpu.memory_space<hbm>> -> memref<1x79x128xi32, #tpu.memory_space<hbm>>
      %dma_start3A_14 = tpu.memref_squeeze %dma_start3A_13 : memref<1x79x128xi32, #tpu.memory_space<hbm>> -> memref<79x128xi32, #tpu.memory_space<hbm>>
      tpu.enqueue_dma source(%dma_start3A_14 : memref<79x128xi32, #tpu.memory_space<hbm>>) target(%arg8 : memref<79x128xi32, #tpu.memory_space<vmem>>) target_semaphore(%run_scoped3A : memref<!tpu.dma_semaphore, #tpu.memory_space<semaphore_mem>>)
      %dma_wait3A = arith.constant 0 : i32
      %dma_wait3A_15 = arith.constant 0 : i32
      %dma_wait3A_16 = tpu.memref_slice %arg3[%add3A, %dma_wait3A, %dma_wait3A_15] : memref<32x79x128xi32, #tpu.memory_space<hbm>> -> memref<1x79x128xi32, #tpu.memory_space<hbm>>
      %dma_wait3A_17 = tpu.memref_squeeze %dma_wait3A_16 : memref<1x79x128xi32, #tpu.memory_space<hbm>> -> memref<79x128xi32, #tpu.memory_space<hbm>>
      %dma_wait3A_18 = arith.constant 0 : i32
      %dma_wait3A_19 = arith.constant 0 : i32
      %dma_wait3A_20 = tpu.memref_slice %arg3[%add3A, %dma_wait3A_18, %dma_wait3A_19] : memref<32x79x128xi32, #tpu.memory_space<hbm>> -> memref<1x79x128xi32, #tpu.memory_space<hbm>>
      %dma_wait3A_21 = tpu.memref_squeeze %dma_wait3A_20 : memref<1x79x128xi32, #tpu.memory_space<hbm>> -> memref<79x128xi32, #tpu.memory_space<hbm>>
      tpu.wait_dma2 semaphore(%run_scoped3A : memref<!tpu.dma_semaphore, #tpu.memory_space<semaphore_mem>>) src(%dma_wait3A_21 : memref<79x128xi32, #tpu.memory_space<hbm>>) dst(%arg8 : memref<79x128xi32, #tpu.memory_space<vmem>>)
      tpu.yield
    }) : () -> ()
    "tpu.region"() ({
      %run_scoped3A = tpu.sem_alloc : memref<!tpu.dma_semaphore, #tpu.memory_space<semaphore_mem>>
      %dma_start3A = arith.constant 0 : i32
      %dma_start3A_8 = arith.constant 0 : i32
      %dma_start3A_9 = tpu.memref_slice %arg4[%add3A, %dma_start3A, %dma_start3A_8] : memref<32x79x128xi32, #tpu.memory_space<hbm>> -> memref<1x79x128xi32, #tpu.memory_space<hbm>>
      %dma_start3A_10 = tpu.memref_squeeze %dma_start3A_9 : memref<1x79x128xi32, #tpu.memory_space<hbm>> -> memref<79x128xi32, #tpu.memory_space<hbm>>
      %dma_start3A_11 = arith.constant 0 : i32
      %dma_start3A_12 = arith.constant 0 : i32
      %dma_start3A_13 = tpu.memref_slice %arg4[%add3A, %dma_start3A_11, %dma_start3A_12] : memref<32x79x128xi32, #tpu.memory_space<hbm>> -> memref<1x79x128xi32, #tpu.memory_space<hbm>>
      %dma_start3A_14 = tpu.memref_squeeze %dma_start3A_13 : memref<1x79x128xi32, #tpu.memory_space<hbm>> -> memref<79x128xi32, #tpu.memory_space<hbm>>
      tpu.enqueue_dma source(%dma_start3A_14 : memref<79x128xi32, #tpu.memory_space<hbm>>) target(%arg9 : memref<79x128xi32, #tpu.memory_space<vmem>>) target_semaphore(%run_scoped3A : memref<!tpu.dma_semaphore, #tpu.memory_space<semaphore_mem>>)
      %dma_wait3A = arith.constant 0 : i32
      %dma_wait3A_15 = arith.constant 0 : i32
      %dma_wait3A_16 = tpu.memref_slice %arg4[%add3A, %dma_wait3A, %dma_wait3A_15] : memref<32x79x128xi32, #tpu.memory_space<hbm>> -> memref<1x79x128xi32, #tpu.memory_space<hbm>>
      %dma_wait3A_17 = tpu.memref_squeeze %dma_wait3A_16 : memref<1x79x128xi32, #tpu.memory_space<hbm>> -> memref<79x128xi32, #tpu.memory_space<hbm>>
      %dma_wait3A_18 = arith.constant 0 : i32
      %dma_wait3A_19 = arith.constant 0 : i32
      %dma_wait3A_20 = tpu.memref_slice %arg4[%add3A, %dma_wait3A_18, %dma_wait3A_19] : memref<32x79x128xi32, #tpu.memory_space<hbm>> -> memref<1x79x128xi32, #tpu.memory_space<hbm>>
      %dma_wait3A_21 = tpu.memref_squeeze %dma_wait3A_20 : memref<1x79x128xi32, #tpu.memory_space<hbm>> -> memref<79x128xi32, #tpu.memory_space<hbm>>
      tpu.wait_dma2 semaphore(%run_scoped3A : memref<!tpu.dma_semaphore, #tpu.memory_space<semaphore_mem>>) src(%dma_wait3A_21 : memref<79x128xi32, #tpu.memory_space<hbm>>) dst(%arg9 : memref<79x128xi32, #tpu.memory_space<vmem>>)
      tpu.yield
    }) : () -> ()
    %barrier3A = arith.constant 0 : index
    tpu.barrier barrier_id(%barrier3A)
    %scan3A = arith.constant 0 : i32
    %scan3A_3 = arith.constant 79 : i32
    %scan3A_4 = arith.addi %scan3A, %scan3A_3 : i32
    %scan3A_5 = arith.constant 1 : i32
    scf.for %scan3A_8 = %scan3A to %scan3A_4 step %scan3A_5  : i32 {
      %mul3A_9 = arith.constant 1 : i32
      %mul3A_10 = arith.muli %scan3A_8, %mul3A_9 : i32
      %add3A_11 = arith.constant 0 : i32
      %add3A_12 = arith.addi %add3A_11, %mul3A_10 : i32
      "tpu.region"() ({
        %run_scoped3A = tpu.sem_alloc : memref<!tpu.dma_semaphore, #tpu.memory_space<semaphore_mem>>
        %dma_start3A = arith.constant 0 : i32
        %dma_start3A_13 = tpu.memref_slice %arg8[%add3A_12, %dma_start3A] : memref<79x128xi32, #tpu.memory_space<vmem>> -> memref<1x128xi32, #tpu.memory_space<vmem>>
        %dma_start3A_14 = tpu.memref_squeeze %dma_start3A_13 : memref<1x128xi32, #tpu.memory_space<vmem>> -> memref<128xi32, #tpu.memory_space<vmem>>
        %dma_start3A_15 = arith.constant 0 : i32
        %dma_start3A_16 = arith.constant 0 : i32
        %dma_start3A_17 = tpu.memref_slice %arg2[%dma_start3A_15, %dma_start3A_16] : memref<10240x128xf32, #tpu.memory_space<hbm>> -> memref<10240x128xf32, #tpu.memory_space<hbm>>
        tpu.enqueue_indirect_dma source(%dma_start3A_17 : memref<10240x128xf32, #tpu.memory_space<hbm>>) target(%arg10 : memref<128x128xf32, #tpu.memory_space<vmem>>) offsets(%dma_start3A_14 : memref<128xi32, #tpu.memory_space<vmem>>) semaphore(%run_scoped3A : memref<!tpu.dma_semaphore, #tpu.memory_space<semaphore_mem>>)
        %dma_wait3A = arith.constant 0 : i32
        %dma_wait3A_18 = tpu.memref_slice %arg8[%add3A_12, %dma_wait3A] : memref<79x128xi32, #tpu.memory_space<vmem>> -> memref<1x128xi32, #tpu.memory_space<vmem>>
        %dma_wait3A_19 = tpu.memref_squeeze %dma_wait3A_18 : memref<1x128xi32, #tpu.memory_space<vmem>> -> memref<128xi32, #tpu.memory_space<vmem>>
        %dma_wait3A_20 = arith.constant 0 : i32
        %dma_wait3A_21 = arith.constant 0 : i32
        %dma_wait3A_22 = tpu.memref_slice %arg2[%dma_wait3A_20, %dma_wait3A_21] : memref<10240x128xf32, #tpu.memory_space<hbm>> -> memref<10240x128xf32, #tpu.memory_space<hbm>>
        tpu.wait_indirect_dma semaphore(%run_scoped3A : memref<!tpu.dma_semaphore, #tpu.memory_space<semaphore_mem>>) src(%dma_wait3A_22 : memref<10240x128xf32, #tpu.memory_space<hbm>>) dst(%arg10 : memref<128x128xf32, #tpu.memory_space<vmem>>)
        tpu.yield
      }) : () -> ()
      "tpu.region"() ({
        %run_scoped3A = tpu.sem_alloc : memref<!tpu.dma_semaphore, #tpu.memory_space<semaphore_mem>>
        %dma_start3A = arith.constant 0 : i32
        %dma_start3A_13 = tpu.memref_slice %arg9[%add3A_12, %dma_start3A] : memref<79x128xi32, #tpu.memory_space<vmem>> -> memref<1x128xi32, #tpu.memory_space<vmem>>
        %dma_start3A_14 = tpu.memref_squeeze %dma_start3A_13 : memref<1x128xi32, #tpu.memory_space<vmem>> -> memref<128xi32, #tpu.memory_space<vmem>>
        %dma_start3A_15 = arith.constant 0 : i32
        %dma_start3A_16 = arith.constant 0 : i32
        %dma_start3A_17 = tpu.memref_slice %arg7[%dma_start3A_15, %dma_start3A_16] : memref<10240x128xf32, #tpu.memory_space<vmem_shared>> -> memref<10240x128xf32, #tpu.memory_space<vmem_shared>>
        tpu.enqueue_indirect_dma source(%arg10 : memref<128x128xf32, #tpu.memory_space<vmem>>) target(%dma_start3A_17 : memref<10240x128xf32, #tpu.memory_space<vmem_shared>>) offsets(%dma_start3A_14 : memref<128xi32, #tpu.memory_space<vmem>>) semaphore(%run_scoped3A : memref<!tpu.dma_semaphore, #tpu.memory_space<semaphore_mem>>) {add = true}
        %dma_wait3A = arith.constant 0 : i32
        %dma_wait3A_18 = tpu.memref_slice %arg9[%add3A_12, %dma_wait3A] : memref<79x128xi32, #tpu.memory_space<vmem>> -> memref<1x128xi32, #tpu.memory_space<vmem>>
        %dma_wait3A_19 = tpu.memref_squeeze %dma_wait3A_18 : memref<1x128xi32, #tpu.memory_space<vmem>> -> memref<128xi32, #tpu.memory_space<vmem>>
        %dma_wait3A_20 = arith.constant 0 : i32
        %dma_wait3A_21 = arith.constant 0 : i32
        %dma_wait3A_22 = tpu.memref_slice %arg7[%dma_wait3A_20, %dma_wait3A_21] : memref<10240x128xf32, #tpu.memory_space<vmem_shared>> -> memref<10240x128xf32, #tpu.memory_space<vmem_shared>>
        tpu.wait_indirect_dma semaphore(%run_scoped3A : memref<!tpu.dma_semaphore, #tpu.memory_space<semaphore_mem>>) src(%arg10 : memref<128x128xf32, #tpu.memory_space<vmem>>) dst(%dma_wait3A_22 : memref<10240x128xf32, #tpu.memory_space<vmem_shared>>)
        tpu.yield
      }) : () -> ()
    }
    %scan3A_6 = arith.constant 79 : i32
    %barrier3A_7 = arith.constant 0 : index
    tpu.barrier barrier_id(%barrier3A_7)
    "tpu.region"() ({
      %run_scoped3A = tpu.sem_alloc : memref<!tpu.dma_semaphore, #tpu.memory_space<semaphore_mem>>
      %dma_start3A = arith.constant 0 : i32
      %dma_start3A_8 = arith.constant 0 : i32
      %dma_start3A_9 = tpu.memref_slice %arg6[%arg0, %dma_start3A, %dma_start3A_8] : memref<2x10240x128xf32, #tpu.memory_space<hbm>> -> memref<1x10240x128xf32, #tpu.memory_space<hbm>>
      %dma_start3A_10 = tpu.memref_squeeze %dma_start3A_9 : memref<1x10240x128xf32, #tpu.memory_space<hbm>> -> memref<10240x128xf32, #tpu.memory_space<hbm>>
      %dma_start3A_11 = arith.constant 0 : i32
      %dma_start3A_12 = tpu.memref_slice %dma_start3A_10[%mul3A_2, %dma_start3A_11] : memref<10240x128xf32, #tpu.memory_space<hbm>> -> memref<640x128xf32, #tpu.memory_space<hbm>>
      %dma_start3A_13 = arith.constant 0 : i32
      %dma_start3A_14 = tpu.memref_slice %arg7[%mul3A_2, %dma_start3A_13] : memref<10240x128xf32, #tpu.memory_space<vmem_shared>> -> memref<640x128xf32, #tpu.memory_space<vmem_shared>>
      tpu.enqueue_dma source(%dma_start3A_14 : memref<640x128xf32, #tpu.memory_space<vmem_shared>>) target(%dma_start3A_12 : memref<640x128xf32, #tpu.memory_space<hbm>>) target_semaphore(%run_scoped3A : memref<!tpu.dma_semaphore, #tpu.memory_space<semaphore_mem>>)
      %dma_wait3A = arith.constant 0 : i32
      %dma_wait3A_15 = arith.constant 0 : i32
      %dma_wait3A_16 = tpu.memref_slice %arg6[%arg0, %dma_wait3A, %dma_wait3A_15] : memref<2x10240x128xf32, #tpu.memory_space<hbm>> -> memref<1x10240x128xf32, #tpu.memory_space<hbm>>
      %dma_wait3A_17 = tpu.memref_squeeze %dma_wait3A_16 : memref<1x10240x128xf32, #tpu.memory_space<hbm>> -> memref<10240x128xf32, #tpu.memory_space<hbm>>
      %dma_wait3A_18 = arith.constant 0 : i32
      %dma_wait3A_19 = tpu.memref_slice %dma_wait3A_17[%mul3A_2, %dma_wait3A_18] : memref<10240x128xf32, #tpu.memory_space<hbm>> -> memref<640x128xf32, #tpu.memory_space<hbm>>
      %dma_wait3A_20 = arith.constant 0 : i32
      %dma_wait3A_21 = tpu.memref_slice %arg7[%mul3A_2, %dma_wait3A_20] : memref<10240x128xf32, #tpu.memory_space<vmem_shared>> -> memref<640x128xf32, #tpu.memory_space<vmem_shared>>
      tpu.wait_dma2 semaphore(%run_scoped3A : memref<!tpu.dma_semaphore, #tpu.memory_space<semaphore_mem>>) src(%dma_wait3A_21 : memref<640x128xf32, #tpu.memory_space<vmem_shared>>) dst(%dma_wait3A_19 : memref<640x128xf32, #tpu.memory_space<hbm>>)
      tpu.yield
    }) : () -> ()
    return
  }
}

#map = affine_map<(d0, d1) -> (0, 0)>
#map1 = affine_map<(d0, d1) -> (0, 0, 0)>
module attributes {stable_mosaic.version = 14 : i64} {
  func.func @kfn(%arg0: i32, %arg1: i32, %arg2: memref<10240x128xf32, #tpu.memory_space<hbm>>, %arg3: memref<32x79x128xi32, #tpu.memory_space<hbm>>, %arg4: memref<32x79x128xi32, #tpu.memory_space<hbm>>, %arg5: memref<10240x128xf32, #tpu.memory_space<hbm>>, %arg6: memref<2x10240x128xf32, #tpu.memory_space<hbm>>, %arg7: memref<10240x128xf32, #tpu.memory_space<vmem_shared>>, %arg8: memref<79x128xi32, #tpu.memory_space<vmem>>, %arg9: memref<79x128xi32, #tpu.memory_space<vmem>>, %arg10: memref<128x128xf32, #tpu.memory_space<vmem>>) attributes {dimension_semantics = [#tpu.dimension_semantics<core_parallel>, #tpu.dimension_semantics<subcore_parallel>], iteration_bounds = array<i64: 2, 16>, scalar_prefetch = 0 : i64, scratch_operands = 4 : i64, tpu.core_type = #tpu.core_type<sc_vector_subcore>, window_params = [{transform_indices = #map}, {transform_indices = #map1}, {transform_indices = #map1}, {transform_indices = #map}, {transform_indices = #map1}]} {
    %mul3A = arith.constant 16 : i32
    %mul3A_0 = arith.muli %arg0, %mul3A : i32
    %add3A = arith.addi %mul3A_0, %arg1 : i32
    %mul3A_1 = arith.constant 640 : i32
    %mul3A_2 = arith.muli %arg1, %mul3A_1 : i32
    "tpu.region"() ({
      %run_scoped3A = tpu.sem_alloc : memref<!tpu.dma_semaphore, #tpu.memory_space<semaphore_mem>>
      %dma_start3A = arith.constant 0 : i32
      %dma_start3A_8 = tpu.memref_slice %arg7[%mul3A_2, %dma_start3A] : memref<10240x128xf32, #tpu.memory_space<vmem_shared>> -> memref<640x128xf32, #tpu.memory_space<vmem_shared>>
      %dma_start3A_9 = arith.constant 0 : i32
      %dma_start3A_10 = tpu.memref_slice %arg5[%mul3A_2, %dma_start3A_9] : memref<10240x128xf32, #tpu.memory_space<hbm>> -> memref<640x128xf32, #tpu.memory_space<hbm>>
      tpu.enqueue_dma source(%dma_start3A_10 : memref<640x128xf32, #tpu.memory_space<hbm>>) target(%dma_start3A_8 : memref<640x128xf32, #tpu.memory_space<vmem_shared>>) target_semaphore(%run_scoped3A : memref<!tpu.dma_semaphore, #tpu.memory_space<semaphore_mem>>)
      %dma_wait3A = arith.constant 0 : i32
      %dma_wait3A_11 = tpu.memref_slice %arg7[%mul3A_2, %dma_wait3A] : memref<10240x128xf32, #tpu.memory_space<vmem_shared>> -> memref<640x128xf32, #tpu.memory_space<vmem_shared>>
      %dma_wait3A_12 = arith.constant 0 : i32
      %dma_wait3A_13 = tpu.memref_slice %arg5[%mul3A_2, %dma_wait3A_12] : memref<10240x128xf32, #tpu.memory_space<hbm>> -> memref<640x128xf32, #tpu.memory_space<hbm>>
      tpu.wait_dma2 semaphore(%run_scoped3A : memref<!tpu.dma_semaphore, #tpu.memory_space<semaphore_mem>>) src(%dma_wait3A_13 : memref<640x128xf32, #tpu.memory_space<hbm>>) dst(%dma_wait3A_11 : memref<640x128xf32, #tpu.memory_space<vmem_shared>>)
      tpu.yield
    }) : () -> ()
    "tpu.region"() ({
      %run_scoped3A = tpu.sem_alloc : memref<!tpu.dma_semaphore, #tpu.memory_space<semaphore_mem>>
      %dma_start3A = arith.constant 0 : i32
      %dma_start3A_8 = arith.constant 0 : i32
      %dma_start3A_9 = tpu.memref_slice %arg3[%add3A, %dma_start3A, %dma_start3A_8] : memref<32x79x128xi32, #tpu.memory_space<hbm>> -> memref<1x79x128xi32, #tpu.memory_space<hbm>>
      %dma_start3A_10 = tpu.memref_squeeze %dma_start3A_9 : memref<1x79x128xi32, #tpu.memory_space<hbm>> -> memref<79x128xi32, #tpu.memory_space<hbm>>
      %dma_start3A_11 = arith.constant 0 : i32
      %dma_start3A_12 = arith.constant 0 : i32
      %dma_start3A_13 = tpu.memref_slice %arg3[%add3A, %dma_start3A_11, %dma_start3A_12] : memref<32x79x128xi32, #tpu.memory_space<hbm>> -> memref<1x79x128xi32, #tpu.memory_space<hbm>>
      %dma_start3A_14 = tpu.memref_squeeze %dma_start3A_13 : memref<1x79x128xi32, #tpu.memory_space<hbm>> -> memref<79x128xi32, #tpu.memory_space<hbm>>
      tpu.enqueue_dma source(%dma_start3A_14 : memref<79x128xi32, #tpu.memory_space<hbm>>) target(%arg8 : memref<79x128xi32, #tpu.memory_space<vmem>>) target_semaphore(%run_scoped3A : memref<!tpu.dma_semaphore, #tpu.memory_space<semaphore_mem>>)
      %dma_wait3A = arith.constant 0 : i32
      %dma_wait3A_15 = arith.constant 0 : i32
      %dma_wait3A_16 = tpu.memref_slice %arg3[%add3A, %dma_wait3A, %dma_wait3A_15] : memref<32x79x128xi32, #tpu.memory_space<hbm>> -> memref<1x79x128xi32, #tpu.memory_space<hbm>>
      %dma_wait3A_17 = tpu.memref_squeeze %dma_wait3A_16 : memref<1x79x128xi32, #tpu.memory_space<hbm>> -> memref<79x128xi32, #tpu.memory_space<hbm>>
      %dma_wait3A_18 = arith.constant 0 : i32
      %dma_wait3A_19 = arith.constant 0 : i32
      %dma_wait3A_20 = tpu.memref_slice %arg3[%add3A, %dma_wait3A_18, %dma_wait3A_19] : memref<32x79x128xi32, #tpu.memory_space<hbm>> -> memref<1x79x128xi32, #tpu.memory_space<hbm>>
      %dma_wait3A_21 = tpu.memref_squeeze %dma_wait3A_20 : memref<1x79x128xi32, #tpu.memory_space<hbm>> -> memref<79x128xi32, #tpu.memory_space<hbm>>
      tpu.wait_dma2 semaphore(%run_scoped3A : memref<!tpu.dma_semaphore, #tpu.memory_space<semaphore_mem>>) src(%dma_wait3A_21 : memref<79x128xi32, #tpu.memory_space<hbm>>) dst(%arg8 : memref<79x128xi32, #tpu.memory_space<vmem>>)
      tpu.yield
    }) : () -> ()
    "tpu.region"() ({
      %run_scoped3A = tpu.sem_alloc : memref<!tpu.dma_semaphore, #tpu.memory_space<semaphore_mem>>
      %dma_start3A = arith.constant 0 : i32
      %dma_start3A_8 = arith.constant 0 : i32
      %dma_start3A_9 = tpu.memref_slice %arg4[%add3A, %dma_start3A, %dma_start3A_8] : memref<32x79x128xi32, #tpu.memory_space<hbm>> -> memref<1x79x128xi32, #tpu.memory_space<hbm>>
      %dma_start3A_10 = tpu.memref_squeeze %dma_start3A_9 : memref<1x79x128xi32, #tpu.memory_space<hbm>> -> memref<79x128xi32, #tpu.memory_space<hbm>>
      %dma_start3A_11 = arith.constant 0 : i32
      %dma_start3A_12 = arith.constant 0 : i32
      %dma_start3A_13 = tpu.memref_slice %arg4[%add3A, %dma_start3A_11, %dma_start3A_12] : memref<32x79x128xi32, #tpu.memory_space<hbm>> -> memref<1x79x128xi32, #tpu.memory_space<hbm>>
      %dma_start3A_14 = tpu.memref_squeeze %dma_start3A_13 : memref<1x79x128xi32, #tpu.memory_space<hbm>> -> memref<79x128xi32, #tpu.memory_space<hbm>>
      tpu.enqueue_dma source(%dma_start3A_14 : memref<79x128xi32, #tpu.memory_space<hbm>>) target(%arg9 : memref<79x128xi32, #tpu.memory_space<vmem>>) target_semaphore(%run_scoped3A : memref<!tpu.dma_semaphore, #tpu.memory_space<semaphore_mem>>)
      %dma_wait3A = arith.constant 0 : i32
      %dma_wait3A_15 = arith.constant 0 : i32
      %dma_wait3A_16 = tpu.memref_slice %arg4[%add3A, %dma_wait3A, %dma_wait3A_15] : memref<32x79x128xi32, #tpu.memory_space<hbm>> -> memref<1x79x128xi32, #tpu.memory_space<hbm>>
      %dma_wait3A_17 = tpu.memref_squeeze %dma_wait3A_16 : memref<1x79x128xi32, #tpu.memory_space<hbm>> -> memref<79x128xi32, #tpu.memory_space<hbm>>
      %dma_wait3A_18 = arith.constant 0 : i32
      %dma_wait3A_19 = arith.constant 0 : i32
      %dma_wait3A_20 = tpu.memref_slice %arg4[%add3A, %dma_wait3A_18, %dma_wait3A_19] : memref<32x79x128xi32, #tpu.memory_space<hbm>> -> memref<1x79x128xi32, #tpu.memory_space<hbm>>
      %dma_wait3A_21 = tpu.memref_squeeze %dma_wait3A_20 : memref<1x79x128xi32, #tpu.memory_space<hbm>> -> memref<79x128xi32, #tpu.memory_space<hbm>>
      tpu.wait_dma2 semaphore(%run_scoped3A : memref<!tpu.dma_semaphore, #tpu.memory_space<semaphore_mem>>) src(%dma_wait3A_21 : memref<79x128xi32, #tpu.memory_space<hbm>>) dst(%arg9 : memref<79x128xi32, #tpu.memory_space<vmem>>)
      tpu.yield
    }) : () -> ()
    %barrier3A = arith.constant 0 : index
    tpu.barrier barrier_id(%barrier3A)
    %scan3A = arith.constant 0 : i32
    %scan3A_3 = arith.constant 79 : i32
    %scan3A_4 = arith.addi %scan3A, %scan3A_3 : i32
    %scan3A_5 = arith.constant 1 : i32
    scf.for %scan3A_8 = %scan3A to %scan3A_4 step %scan3A_5  : i32 {
      %mul3A_9 = arith.constant 1 : i32
      %mul3A_10 = arith.muli %scan3A_8, %mul3A_9 : i32
      %add3A_11 = arith.constant 0 : i32
      %add3A_12 = arith.addi %add3A_11, %mul3A_10 : i32
      "tpu.region"() ({
        %run_scoped3A = tpu.sem_alloc : memref<!tpu.dma_semaphore, #tpu.memory_space<semaphore_mem>>
        %dma_start3A = arith.constant 0 : i32
        %dma_start3A_13 = tpu.memref_slice %arg8[%add3A_12, %dma_start3A] : memref<79x128xi32, #tpu.memory_space<vmem>> -> memref<1x128xi32, #tpu.memory_space<vmem>>
        %dma_start3A_14 = tpu.memref_squeeze %dma_start3A_13 : memref<1x128xi32, #tpu.memory_space<vmem>> -> memref<128xi32, #tpu.memory_space<vmem>>
        %dma_start3A_15 = arith.constant 0 : i32
        %dma_start3A_16 = arith.constant 0 : i32
        %dma_start3A_17 = tpu.memref_slice %arg2[%dma_start3A_15, %dma_start3A_16] : memref<10240x128xf32, #tpu.memory_space<hbm>> -> memref<10240x128xf32, #tpu.memory_space<hbm>>
        tpu.enqueue_indirect_dma source(%dma_start3A_17 : memref<10240x128xf32, #tpu.memory_space<hbm>>) target(%arg10 : memref<128x128xf32, #tpu.memory_space<vmem>>) offsets(%dma_start3A_14 : memref<128xi32, #tpu.memory_space<vmem>>) semaphore(%run_scoped3A : memref<!tpu.dma_semaphore, #tpu.memory_space<semaphore_mem>>)
        %dma_wait3A = arith.constant 0 : i32
        %dma_wait3A_18 = tpu.memref_slice %arg8[%add3A_12, %dma_wait3A] : memref<79x128xi32, #tpu.memory_space<vmem>> -> memref<1x128xi32, #tpu.memory_space<vmem>>
        %dma_wait3A_19 = tpu.memref_squeeze %dma_wait3A_18 : memref<1x128xi32, #tpu.memory_space<vmem>> -> memref<128xi32, #tpu.memory_space<vmem>>
        %dma_wait3A_20 = arith.constant 0 : i32
        %dma_wait3A_21 = arith.constant 0 : i32
        %dma_wait3A_22 = tpu.memref_slice %arg2[%dma_wait3A_20, %dma_wait3A_21] : memref<10240x128xf32, #tpu.memory_space<hbm>> -> memref<10240x128xf32, #tpu.memory_space<hbm>>
        tpu.wait_indirect_dma semaphore(%run_scoped3A : memref<!tpu.dma_semaphore, #tpu.memory_space<semaphore_mem>>) src(%dma_wait3A_22 : memref<10240x128xf32, #tpu.memory_space<hbm>>) dst(%arg10 : memref<128x128xf32, #tpu.memory_space<vmem>>)
        tpu.yield
      }) : () -> ()
      "tpu.region"() ({
        %run_scoped3A = tpu.sem_alloc : memref<!tpu.dma_semaphore, #tpu.memory_space<semaphore_mem>>
        %dma_start3A = arith.constant 0 : i32
        %dma_start3A_13 = tpu.memref_slice %arg9[%add3A_12, %dma_start3A] : memref<79x128xi32, #tpu.memory_space<vmem>> -> memref<1x128xi32, #tpu.memory_space<vmem>>
        %dma_start3A_14 = tpu.memref_squeeze %dma_start3A_13 : memref<1x128xi32, #tpu.memory_space<vmem>> -> memref<128xi32, #tpu.memory_space<vmem>>
        %dma_start3A_15 = arith.constant 0 : i32
        %dma_start3A_16 = arith.constant 0 : i32
        %dma_start3A_17 = tpu.memref_slice %arg7[%dma_start3A_15, %dma_start3A_16] : memref<10240x128xf32, #tpu.memory_space<vmem_shared>> -> memref<10240x128xf32, #tpu.memory_space<vmem_shared>>
        tpu.enqueue_indirect_dma source(%arg10 : memref<128x128xf32, #tpu.memory_space<vmem>>) target(%dma_start3A_17 : memref<10240x128xf32, #tpu.memory_space<vmem_shared>>) offsets(%dma_start3A_14 : memref<128xi32, #tpu.memory_space<vmem>>) semaphore(%run_scoped3A : memref<!tpu.dma_semaphore, #tpu.memory_space<semaphore_mem>>) {add = true}
        %dma_wait3A = arith.constant 0 : i32
        %dma_wait3A_18 = tpu.memref_slice %arg9[%add3A_12, %dma_wait3A] : memref<79x128xi32, #tpu.memory_space<vmem>> -> memref<1x128xi32, #tpu.memory_space<vmem>>
        %dma_wait3A_19 = tpu.memref_squeeze %dma_wait3A_18 : memref<1x128xi32, #tpu.memory_space<vmem>> -> memref<128xi32, #tpu.memory_space<vmem>>
        %dma_wait3A_20 = arith.constant 0 : i32
        %dma_wait3A_21 = arith.constant 0 : i32
        %dma_wait3A_22 = tpu.memref_slice %arg7[%dma_wait3A_20, %dma_wait3A_21] : memref<10240x128xf32, #tpu.memory_space<vmem_shared>> -> memref<10240x128xf32, #tpu.memory_space<vmem_shared>>
        tpu.wait_indirect_dma semaphore(%run_scoped3A : memref<!tpu.dma_semaphore, #tpu.memory_space<semaphore_mem>>) src(%arg10 : memref<128x128xf32, #tpu.memory_space<vmem>>) dst(%dma_wait3A_22 : memref<10240x128xf32, #tpu.memory_space<vmem_shared>>)
        tpu.yield
      }) : () -> ()
    }
    %scan3A_6 = arith.constant 79 : i32
    %barrier3A_7 = arith.constant 0 : index
    tpu.barrier barrier_id(%barrier3A_7)
    "tpu.region"() ({
      %run_scoped3A = tpu.sem_alloc : memref<!tpu.dma_semaphore, #tpu.memory_space<semaphore_mem>>
      %dma_start3A = arith.constant 0 : i32
      %dma_start3A_8 = arith.constant 0 : i32
      %dma_start3A_9 = tpu.memref_slice %arg6[%arg0, %dma_start3A, %dma_start3A_8] : memref<2x10240x128xf32, #tpu.memory_space<hbm>> -> memref<1x10240x128xf32, #tpu.memory_space<hbm>>
      %dma_start3A_10 = tpu.memref_squeeze %dma_start3A_9 : memref<1x10240x128xf32, #tpu.memory_space<hbm>> -> memref<10240x128xf32, #tpu.memory_space<hbm>>
      %dma_start3A_11 = arith.constant 0 : i32
      %dma_start3A_12 = tpu.memref_slice %dma_start3A_10[%mul3A_2, %dma_start3A_11] : memref<10240x128xf32, #tpu.memory_space<hbm>> -> memref<640x128xf32, #tpu.memory_space<hbm>>
      %dma_start3A_13 = arith.constant 0 : i32
      %dma_start3A_14 = tpu.memref_slice %arg7[%mul3A_2, %dma_start3A_13] : memref<10240x128xf32, #tpu.memory_space<vmem_shared>> -> memref<640x128xf32, #tpu.memory_space<vmem_shared>>
      tpu.enqueue_dma source(%dma_start3A_14 : memref<640x128xf32, #tpu.memory_space<vmem_shared>>) target(%dma_start3A_12 : memref<640x128xf32, #tpu.memory_space<hbm>>) target_semaphore(%run_scoped3A : memref<!tpu.dma_semaphore, #tpu.memory_space<semaphore_mem>>)
      %dma_wait3A = arith.constant 0 : i32
      %dma_wait3A_15 = arith.constant 0 : i32
      %dma_wait3A_16 = tpu.memref_slice %arg6[%arg0, %dma_wait3A, %dma_wait3A_15] : memref<2x10240x128xf32, #tpu.memory_space<hbm>> -> memref<1x10240x128xf32, #tpu.memory_space<hbm>>
      %dma_wait3A_17 = tpu.memref_squeeze %dma_wait3A_16 : memref<1x10240x128xf32, #tpu.memory_space<hbm>> -> memref<10240x128xf32, #tpu.memory_space<hbm>>
      %dma_wait3A_18 = arith.constant 0 : i32
      %dma_wait3A_19 = tpu.memref_slice %dma_wait3A_17[%mul3A_2, %dma_wait3A_18] : memref<10240x128xf32, #tpu.memory_space<hbm>> -> memref<640x128xf32, #tpu.memory_space<hbm>>
      %dma_wait3A_20 = arith.constant 0 : i32
      %dma_wait3A_21 = tpu.memref_slice %arg7[%mul3A_2, %dma_wait3A_20] : memref<10240x128xf32, #tpu.memory_space<vmem_shared>> -> memref<640x128xf32, #tpu.memory_space<vmem_shared>>
      tpu.wait_dma2 semaphore(%run_scoped3A : memref<!tpu.dma_semaphore, #tpu.memory_space<semaphore_mem>>) src(%dma_wait3A_21 : memref<640x128xf32, #tpu.memory_space<vmem_shared>>) dst(%dma_wait3A_19 : memref<640x128xf32, #tpu.memory_space<hbm>>)
      tpu.yield
    }) : () -> ()
    return
  }
}

#map = affine_map<(d0, d1) -> (0, 0)>
#map1 = affine_map<(d0, d1) -> (0, 0, 0)>
module attributes {stable_mosaic.version = 14 : i64} {
  func.func @kfn(%arg0: i32, %arg1: i32, %arg2: memref<10240x128xf32, #tpu.memory_space<hbm>>, %arg3: memref<32x79x128xi32, #tpu.memory_space<hbm>>, %arg4: memref<32x79x128xi32, #tpu.memory_space<hbm>>, %arg5: memref<10240x128xf32, #tpu.memory_space<hbm>>, %arg6: memref<2x10240x128xf32, #tpu.memory_space<hbm>>, %arg7: memref<10240x128xf32, #tpu.memory_space<vmem_shared>>, %arg8: memref<79x128xi32, #tpu.memory_space<vmem>>, %arg9: memref<79x128xi32, #tpu.memory_space<vmem>>, %arg10: memref<128x128xf32, #tpu.memory_space<vmem>>) attributes {dimension_semantics = [#tpu.dimension_semantics<core_parallel>, #tpu.dimension_semantics<subcore_parallel>], iteration_bounds = array<i64: 2, 16>, scalar_prefetch = 0 : i64, scratch_operands = 4 : i64, tpu.core_type = #tpu.core_type<sc_vector_subcore>, window_params = [{transform_indices = #map}, {transform_indices = #map1}, {transform_indices = #map1}, {transform_indices = #map}, {transform_indices = #map1}]} {
    %mul3A = arith.constant 16 : i32
    %mul3A_0 = arith.muli %arg0, %mul3A : i32
    %add3A = arith.addi %mul3A_0, %arg1 : i32
    %mul3A_1 = arith.constant 640 : i32
    %mul3A_2 = arith.muli %arg1, %mul3A_1 : i32
    "tpu.region"() ({
      %run_scoped3A = tpu.sem_alloc : memref<!tpu.dma_semaphore, #tpu.memory_space<semaphore_mem>>
      %dma_start3A = arith.constant 0 : i32
      %dma_start3A_8 = tpu.memref_slice %arg7[%mul3A_2, %dma_start3A] : memref<10240x128xf32, #tpu.memory_space<vmem_shared>> -> memref<640x128xf32, #tpu.memory_space<vmem_shared>>
      %dma_start3A_9 = arith.constant 0 : i32
      %dma_start3A_10 = tpu.memref_slice %arg5[%mul3A_2, %dma_start3A_9] : memref<10240x128xf32, #tpu.memory_space<hbm>> -> memref<640x128xf32, #tpu.memory_space<hbm>>
      tpu.enqueue_dma source(%dma_start3A_10 : memref<640x128xf32, #tpu.memory_space<hbm>>) target(%dma_start3A_8 : memref<640x128xf32, #tpu.memory_space<vmem_shared>>) target_semaphore(%run_scoped3A : memref<!tpu.dma_semaphore, #tpu.memory_space<semaphore_mem>>)
      %dma_wait3A = arith.constant 0 : i32
      %dma_wait3A_11 = tpu.memref_slice %arg7[%mul3A_2, %dma_wait3A] : memref<10240x128xf32, #tpu.memory_space<vmem_shared>> -> memref<640x128xf32, #tpu.memory_space<vmem_shared>>
      %dma_wait3A_12 = arith.constant 0 : i32
      %dma_wait3A_13 = tpu.memref_slice %arg5[%mul3A_2, %dma_wait3A_12] : memref<10240x128xf32, #tpu.memory_space<hbm>> -> memref<640x128xf32, #tpu.memory_space<hbm>>
      tpu.wait_dma2 semaphore(%run_scoped3A : memref<!tpu.dma_semaphore, #tpu.memory_space<semaphore_mem>>) src(%dma_wait3A_13 : memref<640x128xf32, #tpu.memory_space<hbm>>) dst(%dma_wait3A_11 : memref<640x128xf32, #tpu.memory_space<vmem_shared>>)
      tpu.yield
    }) : () -> ()
    "tpu.region"() ({
      %run_scoped3A = tpu.sem_alloc : memref<!tpu.dma_semaphore, #tpu.memory_space<semaphore_mem>>
      %dma_start3A = arith.constant 0 : i32
      %dma_start3A_8 = arith.constant 0 : i32
      %dma_start3A_9 = tpu.memref_slice %arg3[%add3A, %dma_start3A, %dma_start3A_8] : memref<32x79x128xi32, #tpu.memory_space<hbm>> -> memref<1x79x128xi32, #tpu.memory_space<hbm>>
      %dma_start3A_10 = tpu.memref_squeeze %dma_start3A_9 : memref<1x79x128xi32, #tpu.memory_space<hbm>> -> memref<79x128xi32, #tpu.memory_space<hbm>>
      %dma_start3A_11 = arith.constant 0 : i32
      %dma_start3A_12 = arith.constant 0 : i32
      %dma_start3A_13 = tpu.memref_slice %arg3[%add3A, %dma_start3A_11, %dma_start3A_12] : memref<32x79x128xi32, #tpu.memory_space<hbm>> -> memref<1x79x128xi32, #tpu.memory_space<hbm>>
      %dma_start3A_14 = tpu.memref_squeeze %dma_start3A_13 : memref<1x79x128xi32, #tpu.memory_space<hbm>> -> memref<79x128xi32, #tpu.memory_space<hbm>>
      tpu.enqueue_dma source(%dma_start3A_14 : memref<79x128xi32, #tpu.memory_space<hbm>>) target(%arg8 : memref<79x128xi32, #tpu.memory_space<vmem>>) target_semaphore(%run_scoped3A : memref<!tpu.dma_semaphore, #tpu.memory_space<semaphore_mem>>)
      %dma_wait3A = arith.constant 0 : i32
      %dma_wait3A_15 = arith.constant 0 : i32
      %dma_wait3A_16 = tpu.memref_slice %arg3[%add3A, %dma_wait3A, %dma_wait3A_15] : memref<32x79x128xi32, #tpu.memory_space<hbm>> -> memref<1x79x128xi32, #tpu.memory_space<hbm>>
      %dma_wait3A_17 = tpu.memref_squeeze %dma_wait3A_16 : memref<1x79x128xi32, #tpu.memory_space<hbm>> -> memref<79x128xi32, #tpu.memory_space<hbm>>
      %dma_wait3A_18 = arith.constant 0 : i32
      %dma_wait3A_19 = arith.constant 0 : i32
      %dma_wait3A_20 = tpu.memref_slice %arg3[%add3A, %dma_wait3A_18, %dma_wait3A_19] : memref<32x79x128xi32, #tpu.memory_space<hbm>> -> memref<1x79x128xi32, #tpu.memory_space<hbm>>
      %dma_wait3A_21 = tpu.memref_squeeze %dma_wait3A_20 : memref<1x79x128xi32, #tpu.memory_space<hbm>> -> memref<79x128xi32, #tpu.memory_space<hbm>>
      tpu.wait_dma2 semaphore(%run_scoped3A : memref<!tpu.dma_semaphore, #tpu.memory_space<semaphore_mem>>) src(%dma_wait3A_21 : memref<79x128xi32, #tpu.memory_space<hbm>>) dst(%arg8 : memref<79x128xi32, #tpu.memory_space<vmem>>)
      tpu.yield
    }) : () -> ()
    "tpu.region"() ({
      %run_scoped3A = tpu.sem_alloc : memref<!tpu.dma_semaphore, #tpu.memory_space<semaphore_mem>>
      %dma_start3A = arith.constant 0 : i32
      %dma_start3A_8 = arith.constant 0 : i32
      %dma_start3A_9 = tpu.memref_slice %arg4[%add3A, %dma_start3A, %dma_start3A_8] : memref<32x79x128xi32, #tpu.memory_space<hbm>> -> memref<1x79x128xi32, #tpu.memory_space<hbm>>
      %dma_start3A_10 = tpu.memref_squeeze %dma_start3A_9 : memref<1x79x128xi32, #tpu.memory_space<hbm>> -> memref<79x128xi32, #tpu.memory_space<hbm>>
      %dma_start3A_11 = arith.constant 0 : i32
      %dma_start3A_12 = arith.constant 0 : i32
      %dma_start3A_13 = tpu.memref_slice %arg4[%add3A, %dma_start3A_11, %dma_start3A_12] : memref<32x79x128xi32, #tpu.memory_space<hbm>> -> memref<1x79x128xi32, #tpu.memory_space<hbm>>
      %dma_start3A_14 = tpu.memref_squeeze %dma_start3A_13 : memref<1x79x128xi32, #tpu.memory_space<hbm>> -> memref<79x128xi32, #tpu.memory_space<hbm>>
      tpu.enqueue_dma source(%dma_start3A_14 : memref<79x128xi32, #tpu.memory_space<hbm>>) target(%arg9 : memref<79x128xi32, #tpu.memory_space<vmem>>) target_semaphore(%run_scoped3A : memref<!tpu.dma_semaphore, #tpu.memory_space<semaphore_mem>>)
      %dma_wait3A = arith.constant 0 : i32
      %dma_wait3A_15 = arith.constant 0 : i32
      %dma_wait3A_16 = tpu.memref_slice %arg4[%add3A, %dma_wait3A, %dma_wait3A_15] : memref<32x79x128xi32, #tpu.memory_space<hbm>> -> memref<1x79x128xi32, #tpu.memory_space<hbm>>
      %dma_wait3A_17 = tpu.memref_squeeze %dma_wait3A_16 : memref<1x79x128xi32, #tpu.memory_space<hbm>> -> memref<79x128xi32, #tpu.memory_space<hbm>>
      %dma_wait3A_18 = arith.constant 0 : i32
      %dma_wait3A_19 = arith.constant 0 : i32
      %dma_wait3A_20 = tpu.memref_slice %arg4[%add3A, %dma_wait3A_18, %dma_wait3A_19] : memref<32x79x128xi32, #tpu.memory_space<hbm>> -> memref<1x79x128xi32, #tpu.memory_space<hbm>>
      %dma_wait3A_21 = tpu.memref_squeeze %dma_wait3A_20 : memref<1x79x128xi32, #tpu.memory_space<hbm>> -> memref<79x128xi32, #tpu.memory_space<hbm>>
      tpu.wait_dma2 semaphore(%run_scoped3A : memref<!tpu.dma_semaphore, #tpu.memory_space<semaphore_mem>>) src(%dma_wait3A_21 : memref<79x128xi32, #tpu.memory_space<hbm>>) dst(%arg9 : memref<79x128xi32, #tpu.memory_space<vmem>>)
      tpu.yield
    }) : () -> ()
    %barrier3A = arith.constant 0 : index
    tpu.barrier barrier_id(%barrier3A)
    %scan3A = arith.constant 0 : i32
    %scan3A_3 = arith.constant 79 : i32
    %scan3A_4 = arith.addi %scan3A, %scan3A_3 : i32
    %scan3A_5 = arith.constant 1 : i32
    scf.for %scan3A_8 = %scan3A to %scan3A_4 step %scan3A_5  : i32 {
      %mul3A_9 = arith.constant 1 : i32
      %mul3A_10 = arith.muli %scan3A_8, %mul3A_9 : i32
      %add3A_11 = arith.constant 0 : i32
      %add3A_12 = arith.addi %add3A_11, %mul3A_10 : i32
      "tpu.region"() ({
        %run_scoped3A = tpu.sem_alloc : memref<!tpu.dma_semaphore, #tpu.memory_space<semaphore_mem>>
        %dma_start3A = arith.constant 0 : i32
        %dma_start3A_13 = tpu.memref_slice %arg8[%add3A_12, %dma_start3A] : memref<79x128xi32, #tpu.memory_space<vmem>> -> memref<1x128xi32, #tpu.memory_space<vmem>>
        %dma_start3A_14 = tpu.memref_squeeze %dma_start3A_13 : memref<1x128xi32, #tpu.memory_space<vmem>> -> memref<128xi32, #tpu.memory_space<vmem>>
        %dma_start3A_15 = arith.constant 0 : i32
        %dma_start3A_16 = arith.constant 0 : i32
        %dma_start3A_17 = tpu.memref_slice %arg2[%dma_start3A_15, %dma_start3A_16] : memref<10240x128xf32, #tpu.memory_space<hbm>> -> memref<10240x128xf32, #tpu.memory_space<hbm>>
        tpu.enqueue_indirect_dma source(%dma_start3A_17 : memref<10240x128xf32, #tpu.memory_space<hbm>>) target(%arg10 : memref<128x128xf32, #tpu.memory_space<vmem>>) offsets(%dma_start3A_14 : memref<128xi32, #tpu.memory_space<vmem>>) semaphore(%run_scoped3A : memref<!tpu.dma_semaphore, #tpu.memory_space<semaphore_mem>>)
        %dma_wait3A = arith.constant 0 : i32
        %dma_wait3A_18 = tpu.memref_slice %arg8[%add3A_12, %dma_wait3A] : memref<79x128xi32, #tpu.memory_space<vmem>> -> memref<1x128xi32, #tpu.memory_space<vmem>>
        %dma_wait3A_19 = tpu.memref_squeeze %dma_wait3A_18 : memref<1x128xi32, #tpu.memory_space<vmem>> -> memref<128xi32, #tpu.memory_space<vmem>>
        %dma_wait3A_20 = arith.constant 0 : i32
        %dma_wait3A_21 = arith.constant 0 : i32
        %dma_wait3A_22 = tpu.memref_slice %arg2[%dma_wait3A_20, %dma_wait3A_21] : memref<10240x128xf32, #tpu.memory_space<hbm>> -> memref<10240x128xf32, #tpu.memory_space<hbm>>
        tpu.wait_indirect_dma semaphore(%run_scoped3A : memref<!tpu.dma_semaphore, #tpu.memory_space<semaphore_mem>>) src(%dma_wait3A_22 : memref<10240x128xf32, #tpu.memory_space<hbm>>) dst(%arg10 : memref<128x128xf32, #tpu.memory_space<vmem>>)
        tpu.yield
      }) : () -> ()
      "tpu.region"() ({
        %run_scoped3A = tpu.sem_alloc : memref<!tpu.dma_semaphore, #tpu.memory_space<semaphore_mem>>
        %dma_start3A = arith.constant 0 : i32
        %dma_start3A_13 = tpu.memref_slice %arg9[%add3A_12, %dma_start3A] : memref<79x128xi32, #tpu.memory_space<vmem>> -> memref<1x128xi32, #tpu.memory_space<vmem>>
        %dma_start3A_14 = tpu.memref_squeeze %dma_start3A_13 : memref<1x128xi32, #tpu.memory_space<vmem>> -> memref<128xi32, #tpu.memory_space<vmem>>
        %dma_start3A_15 = arith.constant 0 : i32
        %dma_start3A_16 = arith.constant 0 : i32
        %dma_start3A_17 = tpu.memref_slice %arg7[%dma_start3A_15, %dma_start3A_16] : memref<10240x128xf32, #tpu.memory_space<vmem_shared>> -> memref<10240x128xf32, #tpu.memory_space<vmem_shared>>
        tpu.enqueue_indirect_dma source(%arg10 : memref<128x128xf32, #tpu.memory_space<vmem>>) target(%dma_start3A_17 : memref<10240x128xf32, #tpu.memory_space<vmem_shared>>) offsets(%dma_start3A_14 : memref<128xi32, #tpu.memory_space<vmem>>) semaphore(%run_scoped3A : memref<!tpu.dma_semaphore, #tpu.memory_space<semaphore_mem>>) {add = true}
        %dma_wait3A = arith.constant 0 : i32
        %dma_wait3A_18 = tpu.memref_slice %arg9[%add3A_12, %dma_wait3A] : memref<79x128xi32, #tpu.memory_space<vmem>> -> memref<1x128xi32, #tpu.memory_space<vmem>>
        %dma_wait3A_19 = tpu.memref_squeeze %dma_wait3A_18 : memref<1x128xi32, #tpu.memory_space<vmem>> -> memref<128xi32, #tpu.memory_space<vmem>>
        %dma_wait3A_20 = arith.constant 0 : i32
        %dma_wait3A_21 = arith.constant 0 : i32
        %dma_wait3A_22 = tpu.memref_slice %arg7[%dma_wait3A_20, %dma_wait3A_21] : memref<10240x128xf32, #tpu.memory_space<vmem_shared>> -> memref<10240x128xf32, #tpu.memory_space<vmem_shared>>
        tpu.wait_indirect_dma semaphore(%run_scoped3A : memref<!tpu.dma_semaphore, #tpu.memory_space<semaphore_mem>>) src(%arg10 : memref<128x128xf32, #tpu.memory_space<vmem>>) dst(%dma_wait3A_22 : memref<10240x128xf32, #tpu.memory_space<vmem_shared>>)
        tpu.yield
      }) : () -> ()
    }
    %scan3A_6 = arith.constant 79 : i32
    %barrier3A_7 = arith.constant 0 : index
    tpu.barrier barrier_id(%barrier3A_7)
    "tpu.region"() ({
      %run_scoped3A = tpu.sem_alloc : memref<!tpu.dma_semaphore, #tpu.memory_space<semaphore_mem>>
      %dma_start3A = arith.constant 0 : i32
      %dma_start3A_8 = arith.constant 0 : i32
      %dma_start3A_9 = tpu.memref_slice %arg6[%arg0, %dma_start3A, %dma_start3A_8] : memref<2x10240x128xf32, #tpu.memory_space<hbm>> -> memref<1x10240x128xf32, #tpu.memory_space<hbm>>
      %dma_start3A_10 = tpu.memref_squeeze %dma_start3A_9 : memref<1x10240x128xf32, #tpu.memory_space<hbm>> -> memref<10240x128xf32, #tpu.memory_space<hbm>>
      %dma_start3A_11 = arith.constant 0 : i32
      %dma_start3A_12 = tpu.memref_slice %dma_start3A_10[%mul3A_2, %dma_start3A_11] : memref<10240x128xf32, #tpu.memory_space<hbm>> -> memref<640x128xf32, #tpu.memory_space<hbm>>
      %dma_start3A_13 = arith.constant 0 : i32
      %dma_start3A_14 = tpu.memref_slice %arg7[%mul3A_2, %dma_start3A_13] : memref<10240x128xf32, #tpu.memory_space<vmem_shared>> -> memref<640x128xf32, #tpu.memory_space<vmem_shared>>
      tpu.enqueue_dma source(%dma_start3A_14 : memref<640x128xf32, #tpu.memory_space<vmem_shared>>) target(%dma_start3A_12 : memref<640x128xf32, #tpu.memory_space<hbm>>) target_semaphore(%run_scoped3A : memref<!tpu.dma_semaphore, #tpu.memory_space<semaphore_mem>>)
      %dma_wait3A = arith.constant 0 : i32
      %dma_wait3A_15 = arith.constant 0 : i32
      %dma_wait3A_16 = tpu.memref_slice %arg6[%arg0, %dma_wait3A, %dma_wait3A_15] : memref<2x10240x128xf32, #tpu.memory_space<hbm>> -> memref<1x10240x128xf32, #tpu.memory_space<hbm>>
      %dma_wait3A_17 = tpu.memref_squeeze %dma_wait3A_16 : memref<1x10240x128xf32, #tpu.memory_space<hbm>> -> memref<10240x128xf32, #tpu.memory_space<hbm>>
      %dma_wait3A_18 = arith.constant 0 : i32
      %dma_wait3A_19 = tpu.memref_slice %dma_wait3A_17[%mul3A_2, %dma_wait3A_18] : memref<10240x128xf32, #tpu.memory_space<hbm>> -> memref<640x128xf32, #tpu.memory_space<hbm>>
      %dma_wait3A_20 = arith.constant 0 : i32
      %dma_wait3A_21 = tpu.memref_slice %arg7[%mul3A_2, %dma_wait3A_20] : memref<10240x128xf32, #tpu.memory_space<vmem_shared>> -> memref<640x128xf32, #tpu.memory_space<vmem_shared>>
      tpu.wait_dma2 semaphore(%run_scoped3A : memref<!tpu.dma_semaphore, #tpu.memory_space<semaphore_mem>>) src(%dma_wait3A_21 : memref<640x128xf32, #tpu.memory_space<vmem_shared>>) dst(%dma_wait3A_19 : memref<640x128xf32, #tpu.memory_space<hbm>>)
      tpu.yield
    }) : () -> ()
    return
  }
}

module attributes {stable_mosaic.version = 14 : i64} {
  func.func @body(%arg0: i32, %arg1: memref<1024x128xf32, #tpu.memory_space<vmem>>, %arg2: memref<2x1024x128xf32, #tpu.memory_space<vmem>>, %arg3: memref<128x128xf32, #tpu.memory_space<vmem>>, %arg4: memref<1024x128xf32, #tpu.memory_space<vmem>>) attributes {dimension_semantics = [#tpu.dimension_semantics<arbitrary>], iteration_bounds = array<i64: 10>, scalar_prefetch = 0 : i64, scratch_operands = 0 : i64, tpu.core_type = #tpu.core_type<tc>, window_params = [{transform_indices = @transform_0, window_bounds = array<i64: 1024, 128>}, {transform_indices = @transform_1, window_bounds = array<i64: 2, 1024, 128>}, {pipeline_mode = #tpu.pipeline_mode<synchronous>, transform_indices = @transform_2, window_bounds = array<i64: 128, 128>}, {transform_indices = @transform_3, window_bounds = array<i64: 1024, 128>}]} {
    %get3A = arith.constant 0 : index
    %get3A_0 = arith.constant 0 : index
    %get3A_1 = arith.constant 0 : index
    %get3A_2 = vector.load %arg2[%get3A, %get3A_0, %get3A_1] : memref<2x1024x128xf32, #tpu.memory_space<vmem>>, vector<2x1024x128xf32>
    %slice3A = vector.extract_strided_slice %get3A_2 {offsets = [0, 0, 0], sizes = [1, 1024, 1], strides = [1, 1, 1]} : vector<2x1024x128xf32> to vector<1x1024x1xf32>
    %squeeze3A = vector.shape_cast %slice3A : vector<1x1024x1xf32> to vector<1024x1xf32>
    %slice3A_3 = vector.extract_strided_slice %get3A_2 {offsets = [1, 0, 0], sizes = [1, 1024, 1], strides = [1, 1, 1]} : vector<2x1024x128xf32> to vector<1x1024x1xf32>
    %squeeze3A_4 = vector.shape_cast %slice3A_3 : vector<1x1024x1xf32> to vector<1024x1xf32>
    %add3A = arith.addf %squeeze3A, %squeeze3A_4 : vector<1024x1xf32>
    %add3A_5 = arith.constant 1.000000e+00 : f32
    %add3A_6 = vector.broadcast %add3A_5 : f32 to vector<1024x1xf32>
    %add3A_7 = arith.addf %add3A, %add3A_6 : vector<1024x1xf32>
    %rsqrt3A = math.rsqrt %add3A_7 : vector<1024x1xf32>
    %iota3A = tpu.iota {dimensions = array<i32: 0>} : vector<1024x1xi32>
    %mul3A = arith.constant 1024 : i32
    %mul3A_8 = arith.muli %arg0, %mul3A : i32
    %add3A_9 = vector.broadcast %mul3A_8 : i32 to vector<1024x1xi32>
    %add3A_10 = arith.addi %iota3A, %add3A_9 : vector<1024x1xi32>
    %lt3A = arith.constant 10000 : i32
    %lt3A_11 = vector.broadcast %lt3A : i32 to vector<1024x1xi32>
    %lt3A_12 = arith.cmpi slt, %add3A_10, %lt3A_11 : vector<1024x1xi32>
    %jit3A = arith.constant 0.000000e+00 : f32
    %broadcast_in_dim3A = vector.broadcast %jit3A : f32 to vector<1024x1xf32>
    %select_n3A = arith.select %lt3A_12, %rsqrt3A, %broadcast_in_dim3A : vector<1024x1xi1>, vector<1024x1xf32>
    %get3A_13 = arith.constant 0 : index
    %get3A_14 = arith.constant 0 : index
    %get3A_15 = vector.load %arg1[%get3A_13, %get3A_14] : memref<1024x128xf32, #tpu.memory_space<vmem>>, vector<1024x128xf32>
    %get3A_16 = arith.constant 0 : index
    %get3A_17 = arith.constant 0 : index
    %get3A_18 = vector.load %arg3[%get3A_16, %get3A_17] : memref<128x128xf32, #tpu.memory_space<vmem>>, vector<128x128xf32>
    %dot_general3A = arith.constant dense<0.000000e+00> : vector<1024x128xf32>
    %dot_general3A_19 = tpu.matmul %get3A_15, %get3A_18, %dot_general3A {dimension_numbers = #tpu.dot_dimension_numbers<[1], [0], [0], [1], [0, 0, 1, 1], [], []>, transpose_lhs_hint = false} : vector<1024x128xf32>, vector<128x128xf32>, vector<1024x128xf32> -> vector<1024x128xf32>
    %mul3A_20 = vector.broadcast %select_n3A : vector<1024x1xf32> to vector<1024x128xf32>
    %mul3A_21 = arith.mulf %dot_general3A_19, %mul3A_20 : vector<1024x128xf32>
    %swap3A = arith.constant 0 : index
    %swap3A_22 = arith.constant 0 : index
    %swap3A_23 = vector.load %arg4[%swap3A, %swap3A_22] : memref<1024x128xf32, #tpu.memory_space<vmem>>, vector<1024x128xf32>
    tpu.vector_store %arg4[%swap3A, %swap3A_22], %mul3A_21 {strides = array<i32>} : memref<1024x128xf32, #tpu.memory_space<vmem>>, vector<1024x128xf32>,
    return
  }
  func.func @transform_0(%arg0: i32) -> (i32, i32) {
    %c0_i32 = arith.constant 0 : i32
    %c0_i32_0 = arith.constant 0 : i32
    return %arg0, %c0_i32 : i32, i32
  }
  func.func @transform_1(%arg0: i32) -> (i32, i32, i32) {
    %c0_i32 = arith.constant 0 : i32
    %c0_i32_0 = arith.constant 0 : i32
    %c0_i32_1 = arith.constant 0 : i32
    return %c0_i32, %arg0, %c0_i32_0 : i32, i32, i32
  }
  func.func @transform_2(%arg0: i32) -> (i32, i32) {
    %c0_i32 = arith.constant 0 : i32
    %c0_i32_0 = arith.constant 0 : i32
    %c0_i32_1 = arith.constant 0 : i32
    return %c0_i32, %c0_i32_0 : i32, i32
  }
  func.func @transform_3(%arg0: i32) -> (i32, i32) {
    %c0_i32 = arith.constant 0 : i32
    %c0_i32_0 = arith.constant 0 : i32
    return %arg0, %c0_i32 : i32, i32
  }
}

module attributes {stable_mosaic.version = 14 : i64} {
  func.func @body(%arg0: i32, %arg1: memref<2x1024x128xf32, #tpu.memory_space<vmem>>, %arg2: memref<1024x128xf32, #tpu.memory_space<vmem>>, %arg3: memref<2x1024x128xf32, #tpu.memory_space<vmem>>, %arg4: memref<1x128xf32, #tpu.memory_space<vmem>>, %arg5: memref<1x128xf32, #tpu.memory_space<vmem>>, %arg6: memref<1x128xf32, #tpu.memory_space<vmem>>, %arg7: memref<1x128xf32, #tpu.memory_space<vmem>>, %arg8: memref<1x128xf32, #tpu.memory_space<vmem>>, %arg9: memref<128x32xf32, #tpu.memory_space<vmem>>, %arg10: memref<1x32xf32, #tpu.memory_space<vmem>>, %arg11: memref<32x128xf32, #tpu.memory_space<vmem>>, %arg12: memref<1x128xf32, #tpu.memory_space<vmem>>, %arg13: memref<128x128xf32, #tpu.memory_space<vmem>>, %arg14: memref<1024x128xf32, #tpu.memory_space<vmem>>) attributes {dimension_semantics = [#tpu.dimension_semantics<arbitrary>], iteration_bounds = array<i64: 10>, scalar_prefetch = 0 : i64, scratch_operands = 0 : i64, tpu.core_type = #tpu.core_type<tc>, window_params = [{transform_indices = @transform_0, window_bounds = array<i64: 2, 1024, 128>}, {transform_indices = @transform_1, window_bounds = array<i64: 1024, 128>}, {transform_indices = @transform_2, window_bounds = array<i64: 2, 1024, 128>}, {pipeline_mode = #tpu.pipeline_mode<synchronous>, transform_indices = @transform_3, window_bounds = array<i64: 1, 128>}, {pipeline_mode = #tpu.pipeline_mode<synchronous>, transform_indices = @transform_4, window_bounds = array<i64: 1, 128>}, {pipeline_mode = #tpu.pipeline_mode<synchronous>, transform_indices = @transform_5, window_bounds = array<i64: 1, 128>}, {pipeline_mode = #tpu.pipeline_mode<synchronous>, transform_indices = @transform_6, window_bounds = array<i64: 1, 128>}, {pipeline_mode = #tpu.pipeline_mode<synchronous>, transform_indices = @transform_7, window_bounds = array<i64: 1, 128>}, {pipeline_mode = #tpu.pipeline_mode<synchronous>, transform_indices = @transform_8, window_bounds = array<i64: 128, 32>}, {pipeline_mode = #tpu.pipeline_mode<synchronous>, transform_indices = @transform_9, window_bounds = array<i64: 1, 32>}, {pipeline_mode = #tpu.pipeline_mode<synchronous>, transform_indices = @transform_10, window_bounds = array<i64: 32, 128>}, {pipeline_mode = #tpu.pipeline_mode<synchronous>, transform_indices = @transform_11, window_bounds = array<i64: 1, 128>}, {pipeline_mode = #tpu.pipeline_mode<synchronous>, transform_indices = @transform_12, window_bounds = array<i64: 128, 128>}, {transform_indices = @transform_13, window_bounds = array<i64: 1024, 128>}]} {
    %get3A = arith.constant 0 : index
    %get3A_0 = arith.constant 0 : index
    %get3A_1 = arith.constant 0 : index
    %get3A_2 = vector.load %arg3[%get3A, %get3A_0, %get3A_1] : memref<2x1024x128xf32, #tpu.memory_space<vmem>>, vector<2x1024x128xf32>
    %slice3A = vector.extract_strided_slice %get3A_2 {offsets = [0, 0, 0], sizes = [1, 1024, 1], strides = [1, 1, 1]} : vector<2x1024x128xf32> to vector<1x1024x1xf32>
    %squeeze3A = vector.shape_cast %slice3A : vector<1x1024x1xf32> to vector<1024x1xf32>
    %slice3A_3 = vector.extract_strided_slice %get3A_2 {offsets = [1, 0, 0], sizes = [1, 1024, 1], strides = [1, 1, 1]} : vector<2x1024x128xf32> to vector<1x1024x1xf32>
    %squeeze3A_4 = vector.shape_cast %slice3A_3 : vector<1x1024x1xf32> to vector<1024x1xf32>
    %add3A = arith.addf %squeeze3A, %squeeze3A_4 : vector<1024x1xf32>
    %add3A_5 = arith.constant 1.000000e+00 : f32
    %add3A_6 = vector.broadcast %add3A_5 : f32 to vector<1024x1xf32>
    %add3A_7 = arith.addf %add3A, %add3A_6 : vector<1024x1xf32>
    %rsqrt3A = math.rsqrt %add3A_7 : vector<1024x1xf32>
    %iota3A = tpu.iota {dimensions = array<i32: 0>} : vector<1024x1xi32>
    %mul3A = arith.constant 1024 : i32
    %mul3A_8 = arith.muli %arg0, %mul3A : i32
    %add3A_9 = vector.broadcast %mul3A_8 : i32 to vector<1024x1xi32>
    %add3A_10 = arith.addi %iota3A, %add3A_9 : vector<1024x1xi32>
    %lt3A = arith.constant 10000 : i32
    %lt3A_11 = vector.broadcast %lt3A : i32 to vector<1024x1xi32>
    %lt3A_12 = arith.cmpi slt, %add3A_10, %lt3A_11 : vector<1024x1xi32>
    %jit3A = arith.constant 0.000000e+00 : f32
    %broadcast_in_dim3A = vector.broadcast %jit3A : f32 to vector<1024x1xf32>
    %select_n3A = arith.select %lt3A_12, %rsqrt3A, %broadcast_in_dim3A : vector<1024x1xi1>, vector<1024x1xf32>
    %get3A_13 = arith.constant 0 : index
    %get3A_14 = arith.constant 0 : index
    %get3A_15 = arith.constant 0 : index
    %get3A_16 = vector.load %arg1[%get3A_13, %get3A_14, %get3A_15] : memref<2x1024x128xf32, #tpu.memory_space<vmem>>, vector<1x1024x128xf32>
    %get3A_17 = vector.shape_cast %get3A_16 : vector<1x1024x128xf32> to vector<1024x128xf32>
    %get3A_18 = arith.constant 1 : index
    %get3A_19 = arith.constant 0 : index
    %get3A_20 = arith.constant 0 : index
    %get3A_21 = vector.load %arg1[%get3A_18, %get3A_19, %get3A_20] : memref<2x1024x128xf32, #tpu.memory_space<vmem>>, vector<1x1024x128xf32>
    %get3A_22 = vector.shape_cast %get3A_21 : vector<1x1024x128xf32> to vector<1024x128xf32>
    %add3A_23 = arith.addf %get3A_17, %get3A_22 : vector<1024x128xf32>
    %get3A_24 = arith.constant 0 : index
    %get3A_25 = arith.constant 0 : index
    %get3A_26 = vector.load %arg2[%get3A_24, %get3A_25] : memref<1024x128xf32, #tpu.memory_space<vmem>>, vector<1024x128xf32>
    %add3A_27 = arith.addf %add3A_23, %get3A_26 : vector<1024x128xf32>
    %mul3A_28 = vector.broadcast %select_n3A : vector<1024x1xf32> to vector<1024x128xf32>
    %mul3A_29 = arith.mulf %add3A_27, %mul3A_28 : vector<1024x128xf32>
    %get3A_30 = arith.constant 0 : index
    %get3A_31 = arith.constant 0 : index
    %get3A_32 = vector.load %arg4[%get3A_30, %get3A_31] : memref<1x128xf32, #tpu.memory_space<vmem>>, vector<1x128xf32>
    %add3A_33 = vector.broadcast %get3A_32 : vector<1x128xf32> to vector<1024x128xf32>
    %add3A_34 = arith.addf %mul3A_29, %add3A_33 : vector<1024x128xf32>
    %get3A_35 = arith.constant 0 : index
    %get3A_36 = arith.constant 0 : index
    %get3A_37 = vector.load %arg8[%get3A_35, %get3A_36] : memref<1x128xf32, #tpu.memory_space<vmem>>, vector<1x128xf32>
    %add3A_38 = arith.constant 9.99999974E-6 : f32
    %add3A_39 = vector.broadcast %add3A_38 : f32 to vector<1x128xf32>
    %add3A_40 = arith.addf %get3A_37, %add3A_39 : vector<1x128xf32>
    %rsqrt3A_41 = math.rsqrt %add3A_40 : vector<1x128xf32>
    %get3A_42 = arith.constant 0 : index
    %get3A_43 = arith.constant 0 : index
    %get3A_44 = vector.load %arg7[%get3A_42, %get3A_43] : memref<1x128xf32, #tpu.memory_space<vmem>>, vector<1x128xf32>
    %sub3A = vector.broadcast %get3A_44 : vector<1x128xf32> to vector<1024x128xf32>
    %sub3A_45 = arith.subf %add3A_34, %sub3A : vector<1024x128xf32>
    %get3A_46 = arith.constant 0 : index
    %get3A_47 = arith.constant 0 : index
    %get3A_48 = vector.load %arg5[%get3A_46, %get3A_47] : memref<1x128xf32, #tpu.memory_space<vmem>>, vector<1x128xf32>
    %mul3A_49 = arith.mulf %get3A_48, %rsqrt3A_41 : vector<1x128xf32>
    %mul3A_50 = vector.broadcast %mul3A_49 : vector<1x128xf32> to vector<1024x128xf32>
    %mul3A_51 = arith.mulf %sub3A_45, %mul3A_50 : vector<1024x128xf32>
    %get3A_52 = arith.constant 0 : index
    %get3A_53 = arith.constant 0 : index
    %get3A_54 = vector.load %arg6[%get3A_52, %get3A_53] : memref<1x128xf32, #tpu.memory_space<vmem>>, vector<1x128xf32>
    %add3A_55 = vector.broadcast %get3A_54 : vector<1x128xf32> to vector<1024x128xf32>
    %add3A_56 = arith.addf %mul3A_51, %add3A_55 : vector<1024x128xf32>
    %get3A_57 = arith.constant 0 : index
    %get3A_58 = arith.constant 0 : index
    %get3A_59 = vector.load %arg9[%get3A_57, %get3A_58] : memref<128x32xf32, #tpu.memory_space<vmem>>, vector<128x32xf32>
    %dot_general3A = arith.constant dense<0.000000e+00> : vector<1024x32xf32>
    %dot_general3A_60 = tpu.matmul %add3A_56, %get3A_59, %dot_general3A {dimension_numbers = #tpu.dot_dimension_numbers<[1], [0], [0], [1], [0, 0, 1, 1], [], []>, transpose_lhs_hint = false} : vector<1024x128xf32>, vector<128x32xf32>, vector<1024x32xf32> -> vector<1024x32xf32>
    %get3A_61 = arith.constant 0 : index
    %get3A_62 = arith.constant 0 : index
    %get3A_63 = vector.load %arg10[%get3A_61, %get3A_62] : memref<1x32xf32, #tpu.memory_space<vmem>>, vector<1x32xf32>
    %add3A_64 = vector.broadcast %get3A_63 : vector<1x32xf32> to vector<1024x32xf32>
    %add3A_65 = arith.addf %dot_general3A_60, %add3A_64 : vector<1024x32xf32>
    %max3A = arith.constant 0.000000e+00 : f32
    %max3A_66 = vector.broadcast %max3A : f32 to vector<1024x32xf32>
    %max3A_67 = arith.maximumf %add3A_65, %max3A_66 : vector<1024x32xf32>
    %get3A_68 = arith.constant 0 : index
    %get3A_69 = arith.constant 0 : index
    %get3A_70 = vector.load %arg11[%get3A_68, %get3A_69] : memref<32x128xf32, #tpu.memory_space<vmem>>, vector<32x128xf32>
    %dot_general3A_71 = arith.constant dense<0.000000e+00> : vector<1024x128xf32>
    %dot_general3A_72 = tpu.matmul %max3A_67, %get3A_70, %dot_general3A_71 {dimension_numbers = #tpu.dot_dimension_numbers<[1], [0], [0], [1], [0, 0, 1, 1], [], []>, transpose_lhs_hint = false} : vector<1024x32xf32>, vector<32x128xf32>, vector<1024x128xf32> -> vector<1024x128xf32>
    %add3A_73 = arith.addf %add3A_56, %dot_general3A_72 : vector<1024x128xf32>
    %get3A_74 = arith.constant 0 : index
    %get3A_75 = arith.constant 0 : index
    %get3A_76 = vector.load %arg12[%get3A_74, %get3A_75] : memref<1x128xf32, #tpu.memory_space<vmem>>, vector<1x128xf32>
    %add3A_77 = vector.broadcast %get3A_76 : vector<1x128xf32> to vector<1024x128xf32>
    %add3A_78 = arith.addf %add3A_73, %add3A_77 : vector<1024x128xf32>
    %max3A_79 = arith.constant 0.000000e+00 : f32
    %max3A_80 = vector.broadcast %max3A_79 : f32 to vector<1024x128xf32>
    %max3A_81 = arith.maximumf %add3A_78, %max3A_80 : vector<1024x128xf32>
    %get3A_82 = arith.constant 0 : index
    %get3A_83 = arith.constant 0 : index
    %get3A_84 = vector.load %arg13[%get3A_82, %get3A_83] : memref<128x128xf32, #tpu.memory_space<vmem>>, vector<128x128xf32>
    %dot_general3A_85 = arith.constant dense<0.000000e+00> : vector<1024x128xf32>
    %dot_general3A_86 = tpu.matmul %max3A_81, %get3A_84, %dot_general3A_85 {dimension_numbers = #tpu.dot_dimension_numbers<[1], [0], [0], [1], [0, 0, 1, 1], [], []>, transpose_lhs_hint = false} : vector<1024x128xf32>, vector<128x128xf32>, vector<1024x128xf32> -> vector<1024x128xf32>
    %mul3A_87 = vector.broadcast %select_n3A : vector<1024x1xf32> to vector<1024x128xf32>
    %mul3A_88 = arith.mulf %dot_general3A_86, %mul3A_87 : vector<1024x128xf32>
    %swap3A = arith.constant 0 : index
    %swap3A_89 = arith.constant 0 : index
    %swap3A_90 = vector.load %arg14[%swap3A, %swap3A_89] : memref<1024x128xf32, #tpu.memory_space<vmem>>, vector<1024x128xf32>
    tpu.vector_store %arg14[%swap3A, %swap3A_89], %mul3A_88 {strides = array<i32>} : memref<1024x128xf32, #tpu.memory_space<vmem>>, vector<1024x128xf32>,
    return
  }
  func.func @transform_0(%arg0: i32) -> (i32, i32, i32) {
    %c0_i32 = arith.constant 0 : i32
    %c0_i32_0 = arith.constant 0 : i32
    %c0_i32_1 = arith.constant 0 : i32
    return %c0_i32, %arg0, %c0_i32_0 : i32, i32, i32
  }
  func.func @transform_1(%arg0: i32) -> (i32, i32) {
    %c0_i32 = arith.constant 0 : i32
    %c0_i32_0 = arith.constant 0 : i32
    return %arg0, %c0_i32 : i32, i32
  }
  func.func @transform_2(%arg0: i32) -> (i32, i32, i32) {
    %c0_i32 = arith.constant 0 : i32
    %c0_i32_0 = arith.constant 0 : i32
    %c0_i32_1 = arith.constant 0 : i32
    return %c0_i32, %arg0, %c0_i32_0 : i32, i32, i32
  }
  func.func @transform_3(%arg0: i32) -> (i32, i32) {
    %c0_i32 = arith.constant 0 : i32
    %c0_i32_0 = arith.constant 0 : i32
    %c0_i32_1 = arith.constant 0 : i32
    return %c0_i32, %c0_i32_0 : i32, i32
  }
  func.func @transform_4(%arg0: i32) -> (i32, i32) {
    %c0_i32 = arith.constant 0 : i32
    %c0_i32_0 = arith.constant 0 : i32
    %c0_i32_1 = arith.constant 0 : i32
    return %c0_i32, %c0_i32_0 : i32, i32
  }
  func.func @transform_5(%arg0: i32) -> (i32, i32) {
    %c0_i32 = arith.constant 0 : i32
    %c0_i32_0 = arith.constant 0 : i32
    %c0_i32_1 = arith.constant 0 : i32
    return %c0_i32, %c0_i32_0 : i32, i32
  }
  func.func @transform_6(%arg0: i32) -> (i32, i32) {
    %c0_i32 = arith.constant 0 : i32
    %c0_i32_0 = arith.constant 0 : i32
    %c0_i32_1 = arith.constant 0 : i32
    return %c0_i32, %c0_i32_0 : i32, i32
  }
  func.func @transform_7(%arg0: i32) -> (i32, i32) {
    %c0_i32 = arith.constant 0 : i32
    %c0_i32_0 = arith.constant 0 : i32
    %c0_i32_1 = arith.constant 0 : i32
    return %c0_i32, %c0_i32_0 : i32, i32
  }
  func.func @transform_8(%arg0: i32) -> (i32, i32) {
    %c0_i32 = arith.constant 0 : i32
    %c0_i32_0 = arith.constant 0 : i32
    %c0_i32_1 = arith.constant 0 : i32
    return %c0_i32, %c0_i32_0 : i32, i32
  }
  func.func @transform_9(%arg0: i32) -> (i32, i32) {
    %c0_i32 = arith.constant 0 : i32
    %c0_i32_0 = arith.constant 0 : i32
    %c0_i32_1 = arith.constant 0 : i32
    return %c0_i32, %c0_i32_0 : i32, i32
  }
  func.func @transform_10(%arg0: i32) -> (i32, i32) {
    %c0_i32 = arith.constant 0 : i32
    %c0_i32_0 = arith.constant 0 : i32
    %c0_i32_1 = arith.constant 0 : i32
    return %c0_i32, %c0_i32_0 : i32, i32
  }
  func.func @transform_11(%arg0: i32) -> (i32, i32) {
    %c0_i32 = arith.constant 0 : i32
    %c0_i32_0 = arith.constant 0 : i32
    %c0_i32_1 = arith.constant 0 : i32
    return %c0_i32, %c0_i32_0 : i32, i32
  }
  func.func @transform_12(%arg0: i32) -> (i32, i32) {
    %c0_i32 = arith.constant 0 : i32
    %c0_i32_0 = arith.constant 0 : i32
    %c0_i32_1 = arith.constant 0 : i32
    return %c0_i32, %c0_i32_0 : i32, i32
  }
  func.func @transform_13(%arg0: i32) -> (i32, i32) {
    %c0_i32 = arith.constant 0 : i32
    %c0_i32_0 = arith.constant 0 : i32
    return %arg0, %c0_i32 : i32, i32
  }
}

module attributes {stable_mosaic.version = 14 : i64} {
  func.func @body(%arg0: i32, %arg1: memref<2x1024x128xf32, #tpu.memory_space<vmem>>, %arg2: memref<1024x128xf32, #tpu.memory_space<vmem>>, %arg3: memref<2x1024x128xf32, #tpu.memory_space<vmem>>, %arg4: memref<1x128xf32, #tpu.memory_space<vmem>>, %arg5: memref<1x128xf32, #tpu.memory_space<vmem>>, %arg6: memref<1x128xf32, #tpu.memory_space<vmem>>, %arg7: memref<1x128xf32, #tpu.memory_space<vmem>>, %arg8: memref<1x128xf32, #tpu.memory_space<vmem>>, %arg9: memref<128x32xf32, #tpu.memory_space<vmem>>, %arg10: memref<1x32xf32, #tpu.memory_space<vmem>>, %arg11: memref<32x128xf32, #tpu.memory_space<vmem>>, %arg12: memref<1x128xf32, #tpu.memory_space<vmem>>, %arg13: memref<1024x128xf32, #tpu.memory_space<vmem>>) attributes {dimension_semantics = [#tpu.dimension_semantics<arbitrary>], iteration_bounds = array<i64: 10>, scalar_prefetch = 0 : i64, scratch_operands = 0 : i64, tpu.core_type = #tpu.core_type<tc>, window_params = [{transform_indices = @transform_0, window_bounds = array<i64: 2, 1024, 128>}, {transform_indices = @transform_1, window_bounds = array<i64: 1024, 128>}, {transform_indices = @transform_2, window_bounds = array<i64: 2, 1024, 128>}, {pipeline_mode = #tpu.pipeline_mode<synchronous>, transform_indices = @transform_3, window_bounds = array<i64: 1, 128>}, {pipeline_mode = #tpu.pipeline_mode<synchronous>, transform_indices = @transform_4, window_bounds = array<i64: 1, 128>}, {pipeline_mode = #tpu.pipeline_mode<synchronous>, transform_indices = @transform_5, window_bounds = array<i64: 1, 128>}, {pipeline_mode = #tpu.pipeline_mode<synchronous>, transform_indices = @transform_6, window_bounds = array<i64: 1, 128>}, {pipeline_mode = #tpu.pipeline_mode<synchronous>, transform_indices = @transform_7, window_bounds = array<i64: 1, 128>}, {pipeline_mode = #tpu.pipeline_mode<synchronous>, transform_indices = @transform_8, window_bounds = array<i64: 128, 32>}, {pipeline_mode = #tpu.pipeline_mode<synchronous>, transform_indices = @transform_9, window_bounds = array<i64: 1, 32>}, {pipeline_mode = #tpu.pipeline_mode<synchronous>, transform_indices = @transform_10, window_bounds = array<i64: 32, 128>}, {pipeline_mode = #tpu.pipeline_mode<synchronous>, transform_indices = @transform_11, window_bounds = array<i64: 1, 128>}, {transform_indices = @transform_12, window_bounds = array<i64: 1024, 128>}]} {
    %get3A = arith.constant 0 : index
    %get3A_0 = arith.constant 0 : index
    %get3A_1 = arith.constant 0 : index
    %get3A_2 = vector.load %arg3[%get3A, %get3A_0, %get3A_1] : memref<2x1024x128xf32, #tpu.memory_space<vmem>>, vector<2x1024x128xf32>
    %slice3A = vector.extract_strided_slice %get3A_2 {offsets = [0, 0, 0], sizes = [1, 1024, 1], strides = [1, 1, 1]} : vector<2x1024x128xf32> to vector<1x1024x1xf32>
    %squeeze3A = vector.shape_cast %slice3A : vector<1x1024x1xf32> to vector<1024x1xf32>
    %slice3A_3 = vector.extract_strided_slice %get3A_2 {offsets = [1, 0, 0], sizes = [1, 1024, 1], strides = [1, 1, 1]} : vector<2x1024x128xf32> to vector<1x1024x1xf32>
    %squeeze3A_4 = vector.shape_cast %slice3A_3 : vector<1x1024x1xf32> to vector<1024x1xf32>
    %add3A = arith.addf %squeeze3A, %squeeze3A_4 : vector<1024x1xf32>
    %add3A_5 = arith.constant 1.000000e+00 : f32
    %add3A_6 = vector.broadcast %add3A_5 : f32 to vector<1024x1xf32>
    %add3A_7 = arith.addf %add3A, %add3A_6 : vector<1024x1xf32>
    %rsqrt3A = math.rsqrt %add3A_7 : vector<1024x1xf32>
    %iota3A = tpu.iota {dimensions = array<i32: 0>} : vector<1024x1xi32>
    %mul3A = arith.constant 1024 : i32
    %mul3A_8 = arith.muli %arg0, %mul3A : i32
    %add3A_9 = vector.broadcast %mul3A_8 : i32 to vector<1024x1xi32>
    %add3A_10 = arith.addi %iota3A, %add3A_9 : vector<1024x1xi32>
    %lt3A = arith.constant 10000 : i32
    %lt3A_11 = vector.broadcast %lt3A : i32 to vector<1024x1xi32>
    %lt3A_12 = arith.cmpi slt, %add3A_10, %lt3A_11 : vector<1024x1xi32>
    %jit3A = arith.constant 0.000000e+00 : f32
    %broadcast_in_dim3A = vector.broadcast %jit3A : f32 to vector<1024x1xf32>
    %select_n3A = arith.select %lt3A_12, %rsqrt3A, %broadcast_in_dim3A : vector<1024x1xi1>, vector<1024x1xf32>
    %get3A_13 = arith.constant 0 : index
    %get3A_14 = arith.constant 0 : index
    %get3A_15 = arith.constant 0 : index
    %get3A_16 = vector.load %arg1[%get3A_13, %get3A_14, %get3A_15] : memref<2x1024x128xf32, #tpu.memory_space<vmem>>, vector<1x1024x128xf32>
    %get3A_17 = vector.shape_cast %get3A_16 : vector<1x1024x128xf32> to vector<1024x128xf32>
    %get3A_18 = arith.constant 1 : index
    %get3A_19 = arith.constant 0 : index
    %get3A_20 = arith.constant 0 : index
    %get3A_21 = vector.load %arg1[%get3A_18, %get3A_19, %get3A_20] : memref<2x1024x128xf32, #tpu.memory_space<vmem>>, vector<1x1024x128xf32>
    %get3A_22 = vector.shape_cast %get3A_21 : vector<1x1024x128xf32> to vector<1024x128xf32>
    %add3A_23 = arith.addf %get3A_17, %get3A_22 : vector<1024x128xf32>
    %get3A_24 = arith.constant 0 : index
    %get3A_25 = arith.constant 0 : index
    %get3A_26 = vector.load %arg2[%get3A_24, %get3A_25] : memref<1024x128xf32, #tpu.memory_space<vmem>>, vector<1024x128xf32>
    %add3A_27 = arith.addf %add3A_23, %get3A_26 : vector<1024x128xf32>
    %mul3A_28 = vector.broadcast %select_n3A : vector<1024x1xf32> to vector<1024x128xf32>
    %mul3A_29 = arith.mulf %add3A_27, %mul3A_28 : vector<1024x128xf32>
    %get3A_30 = arith.constant 0 : index
    %get3A_31 = arith.constant 0 : index
    %get3A_32 = vector.load %arg4[%get3A_30, %get3A_31] : memref<1x128xf32, #tpu.memory_space<vmem>>, vector<1x128xf32>
    %add3A_33 = vector.broadcast %get3A_32 : vector<1x128xf32> to vector<1024x128xf32>
    %add3A_34 = arith.addf %mul3A_29, %add3A_33 : vector<1024x128xf32>
    %get3A_35 = arith.constant 0 : index
    %get3A_36 = arith.constant 0 : index
    %get3A_37 = vector.load %arg8[%get3A_35, %get3A_36] : memref<1x128xf32, #tpu.memory_space<vmem>>, vector<1x128xf32>
    %add3A_38 = arith.constant 9.99999974E-6 : f32
    %add3A_39 = vector.broadcast %add3A_38 : f32 to vector<1x128xf32>
    %add3A_40 = arith.addf %get3A_37, %add3A_39 : vector<1x128xf32>
    %rsqrt3A_41 = math.rsqrt %add3A_40 : vector<1x128xf32>
    %get3A_42 = arith.constant 0 : index
    %get3A_43 = arith.constant 0 : index
    %get3A_44 = vector.load %arg7[%get3A_42, %get3A_43] : memref<1x128xf32, #tpu.memory_space<vmem>>, vector<1x128xf32>
    %sub3A = vector.broadcast %get3A_44 : vector<1x128xf32> to vector<1024x128xf32>
    %sub3A_45 = arith.subf %add3A_34, %sub3A : vector<1024x128xf32>
    %get3A_46 = arith.constant 0 : index
    %get3A_47 = arith.constant 0 : index
    %get3A_48 = vector.load %arg5[%get3A_46, %get3A_47] : memref<1x128xf32, #tpu.memory_space<vmem>>, vector<1x128xf32>
    %mul3A_49 = arith.mulf %get3A_48, %rsqrt3A_41 : vector<1x128xf32>
    %mul3A_50 = vector.broadcast %mul3A_49 : vector<1x128xf32> to vector<1024x128xf32>
    %mul3A_51 = arith.mulf %sub3A_45, %mul3A_50 : vector<1024x128xf32>
    %get3A_52 = arith.constant 0 : index
    %get3A_53 = arith.constant 0 : index
    %get3A_54 = vector.load %arg6[%get3A_52, %get3A_53] : memref<1x128xf32, #tpu.memory_space<vmem>>, vector<1x128xf32>
    %add3A_55 = vector.broadcast %get3A_54 : vector<1x128xf32> to vector<1024x128xf32>
    %add3A_56 = arith.addf %mul3A_51, %add3A_55 : vector<1024x128xf32>
    %get3A_57 = arith.constant 0 : index
    %get3A_58 = arith.constant 0 : index
    %get3A_59 = vector.load %arg9[%get3A_57, %get3A_58] : memref<128x32xf32, #tpu.memory_space<vmem>>, vector<128x32xf32>
    %dot_general3A = arith.constant dense<0.000000e+00> : vector<1024x32xf32>
    %dot_general3A_60 = tpu.matmul %add3A_56, %get3A_59, %dot_general3A {dimension_numbers = #tpu.dot_dimension_numbers<[1], [0], [0], [1], [0, 0, 1, 1], [], []>, transpose_lhs_hint = false} : vector<1024x128xf32>, vector<128x32xf32>, vector<1024x32xf32> -> vector<1024x32xf32>
    %get3A_61 = arith.constant 0 : index
    %get3A_62 = arith.constant 0 : index
    %get3A_63 = vector.load %arg10[%get3A_61, %get3A_62] : memref<1x32xf32, #tpu.memory_space<vmem>>, vector<1x32xf32>
    %add3A_64 = vector.broadcast %get3A_63 : vector<1x32xf32> to vector<1024x32xf32>
    %add3A_65 = arith.addf %dot_general3A_60, %add3A_64 : vector<1024x32xf32>
    %max3A = arith.constant 0.000000e+00 : f32
    %max3A_66 = vector.broadcast %max3A : f32 to vector<1024x32xf32>
    %max3A_67 = arith.maximumf %add3A_65, %max3A_66 : vector<1024x32xf32>
    %get3A_68 = arith.constant 0 : index
    %get3A_69 = arith.constant 0 : index
    %get3A_70 = vector.load %arg11[%get3A_68, %get3A_69] : memref<32x128xf32, #tpu.memory_space<vmem>>, vector<32x128xf32>
    %dot_general3A_71 = arith.constant dense<0.000000e+00> : vector<1024x128xf32>
    %dot_general3A_72 = tpu.matmul %max3A_67, %get3A_70, %dot_general3A_71 {dimension_numbers = #tpu.dot_dimension_numbers<[1], [0], [0], [1], [0, 0, 1, 1], [], []>, transpose_lhs_hint = false} : vector<1024x32xf32>, vector<32x128xf32>, vector<1024x128xf32> -> vector<1024x128xf32>
    %add3A_73 = arith.addf %add3A_56, %dot_general3A_72 : vector<1024x128xf32>
    %get3A_74 = arith.constant 0 : index
    %get3A_75 = arith.constant 0 : index
    %get3A_76 = vector.load %arg12[%get3A_74, %get3A_75] : memref<1x128xf32, #tpu.memory_space<vmem>>, vector<1x128xf32>
    %add3A_77 = vector.broadcast %get3A_76 : vector<1x128xf32> to vector<1024x128xf32>
    %add3A_78 = arith.addf %add3A_73, %add3A_77 : vector<1024x128xf32>
    %swap3A = arith.constant 0 : index
    %swap3A_79 = arith.constant 0 : index
    %swap3A_80 = vector.load %arg13[%swap3A, %swap3A_79] : memref<1024x128xf32, #tpu.memory_space<vmem>>, vector<1024x128xf32>
    tpu.vector_store %arg13[%swap3A, %swap3A_79], %add3A_78 {strides = array<i32>} : memref<1024x128xf32, #tpu.memory_space<vmem>>, vector<1024x128xf32>,
    return
  }
  func.func @transform_0(%arg0: i32) -> (i32, i32, i32) {
    %c0_i32 = arith.constant 0 : i32
    %c0_i32_0 = arith.constant 0 : i32
    %c0_i32_1 = arith.constant 0 : i32
    return %c0_i32, %arg0, %c0_i32_0 : i32, i32, i32
  }
  func.func @transform_1(%arg0: i32) -> (i32, i32) {
    %c0_i32 = arith.constant 0 : i32
    %c0_i32_0 = arith.constant 0 : i32
    return %arg0, %c0_i32 : i32, i32
  }
  func.func @transform_2(%arg0: i32) -> (i32, i32, i32) {
    %c0_i32 = arith.constant 0 : i32
    %c0_i32_0 = arith.constant 0 : i32
    %c0_i32_1 = arith.constant 0 : i32
    return %c0_i32, %arg0, %c0_i32_0 : i32, i32, i32
  }
  func.func @transform_3(%arg0: i32) -> (i32, i32) {
    %c0_i32 = arith.constant 0 : i32
    %c0_i32_0 = arith.constant 0 : i32
    %c0_i32_1 = arith.constant 0 : i32
    return %c0_i32, %c0_i32_0 : i32, i32
  }
  func.func @transform_4(%arg0: i32) -> (i32, i32) {
    %c0_i32 = arith.constant 0 : i32
    %c0_i32_0 = arith.constant 0 : i32
    %c0_i32_1 = arith.constant 0 : i32
    return %c0_i32, %c0_i32_0 : i32, i32
  }
  func.func @transform_5(%arg0: i32) -> (i32, i32) {
    %c0_i32 = arith.constant 0 : i32
    %c0_i32_0 = arith.constant 0 : i32
    %c0_i32_1 = arith.constant 0 : i32
    return %c0_i32, %c0_i32_0 : i32, i32
  }
  func.func @transform_6(%arg0: i32) -> (i32, i32) {
    %c0_i32 = arith.constant 0 : i32
    %c0_i32_0 = arith.constant 0 : i32
    %c0_i32_1 = arith.constant 0 : i32
    return %c0_i32, %c0_i32_0 : i32, i32
  }
  func.func @transform_7(%arg0: i32) -> (i32, i32) {
    %c0_i32 = arith.constant 0 : i32
    %c0_i32_0 = arith.constant 0 : i32
    %c0_i32_1 = arith.constant 0 : i32
    return %c0_i32, %c0_i32_0 : i32, i32
  }
  func.func @transform_8(%arg0: i32) -> (i32, i32) {
    %c0_i32 = arith.constant 0 : i32
    %c0_i32_0 = arith.constant 0 : i32
    %c0_i32_1 = arith.constant 0 : i32
    return %c0_i32, %c0_i32_0 : i32, i32
  }
  func.func @transform_9(%arg0: i32) -> (i32, i32) {
    %c0_i32 = arith.constant 0 : i32
    %c0_i32_0 = arith.constant 0 : i32
    %c0_i32_1 = arith.constant 0 : i32
    return %c0_i32, %c0_i32_0 : i32, i32
  }
  func.func @transform_10(%arg0: i32) -> (i32, i32) {
    %c0_i32 = arith.constant 0 : i32
    %c0_i32_0 = arith.constant 0 : i32
    %c0_i32_1 = arith.constant 0 : i32
    return %c0_i32, %c0_i32_0 : i32, i32
  }
  func.func @transform_11(%arg0: i32) -> (i32, i32) {
    %c0_i32 = arith.constant 0 : i32
    %c0_i32_0 = arith.constant 0 : i32
    %c0_i32_1 = arith.constant 0 : i32
    return %c0_i32, %c0_i32_0 : i32, i32
  }
  func.func @transform_12(%arg0: i32) -> (i32, i32) {
    %c0_i32 = arith.constant 0 : i32
    %c0_i32_0 = arith.constant 0 : i32
    return %arg0, %c0_i32 : i32, i32
  }
}

</mosaic_0001>

<sc_bundles>
// kernel: kernel.10.cloned.1.call-start
scs
__scs_entry_jumppad:
0x0: {  	(pc) =	sbr.rel $0x88, $3  }
0x1: {  	(tag) =	ssettag $0x0;
	lr =	simm.s32 $0x1  }
0x2: {  	[smem:$0x3F95] =	sst lr;
	_ =	strace $0xD0000000  }
0x3: {  	_ = 	snop  }
0x4: {  	_ = 	snop  }
0x5: {  	_ = 	snop  }
0x6: {  	_ = 	snop  }
0x7: {  	_ = 	snop  }
__scs_overlays_trampoline_lowered:
0x8: {  	[smem:$0x3FA4] =	sst s0  }
0x9: {  	[smem:$0x3FA5] =	sst s1  }
0xa: {  	[smem:$0x3FA6] =	sst s2  }
0xb: {  	[smem:$0x3FA7] =	sst s3  }
0xc: {  	[smem:$0x3FA8] =	sst s4  }
0xd: {  	[smem:$0x3FA9] =	sst s5  }
0xe: {  	[smem:$0x3FAA] =	sst s6  }
0xf: {  	[smem:$0x3FAB] =	sst s7  }
0x10: {  	[smem:$0x3FAC] =	sst s8  }
0x11: {  	[smem:$0x3FAD] =	sst s9;
	s0 =	simm.s32 @!p0 $0x0  }
0x12: {  	s1 =	sld [smem:$0x3F93];
	s0 =	simm.s32 @p0 $0x1  }
0x13: {  	[smem:$0x3FAE] =	sst s0;
	s0 =	simm.s32 @!p1 $0x0  }
0x14: {  	s2 =	sld [smem:$0x3F92];
	s0 =	simm.s32 @p1 $0x1  }
0x15: {  	[smem:$0x3FAF] =	sst s0;
	s0 =	simm.s32 @!p2 $0x0  }
0x16: {  	s3 =	sld [smem:$0x3FDB];
	s0 =	simm.s32 @p2 $0x1  }
0x17: {  	s4 =	simm.s32 $0x1BF5;
	[smem:$0x3FB1] =	sst s0  }
0x18: {  	s0 =	sld [smem:$0x3F94];
	_ =	swait.ge [sflag:s4], $0x0  }
0x19: {  	s7 =	sld [smem:$0x3F95]  }
0x1a: {  	s8 =	sadd.s32 $0xFFFFE003, lr  }
0x1b: {  	s9 =	sadd.s32 $0xFFFFFEF7, lr;
	s5 =	simm.s32 $0xFFFFFFFF;
	p2 =	slt.u32 s8, $0xFFFFF086  }
0x1c: {  	p1 =	slt.u32 s9, $0xF7A;
	s5 =	simm.s32 @!p2 $0x0  }
0x1d: {  	s5 =	simm.s32 @p1 $0x1;
	p0 =	seq.s32 s7, s2  }
0x1e: {  	s7 =	smul.u32 @!p0 $0xF7A, s2;
	p2 =	seq.s32 @!p0 s5, $0x0  }
0x1f: {  	s9 =	smul.u32 $0xF7A, s1;
	s8 =	simm.s32 @!p0 $0x1BF5;
	p2 =	por !p2, p0  }
0x20: {  	[sflag:s8] =	ssyncset.s32 @!p0 $0xFFFFF086;
	s6 =	sadd.s32 @!p0 s3, s7;
	s7 =	simm.s32 @!p0 $0x108  }
0x21: {  	s3 =	sadd.s32 s3, s9;
	s6 =	sadd.s32 @!p0 $0x88, s6;
	s7 =	simm.s32 @p2 $0x1082  }
0x22: {  	[simem:s7], [sflag:s8] =	dma.local @!p0 [hbm:s6], $0xF7A  }
0x23: {  	s9 =	sor.u32 $0xD0000000, s2;
	s6 =	simm.s32 $0x108;
	_ =	swait.ge @!p0 [sflag:s8], $0x0  }
0x24: {  	s3 =	sadd.s32 $0x88, s3;
	s6 =	simm.s32 @!p1 $0x1082;
	[sflag:s4] =	ssyncset.s32 $0xFFFFF086  }
0x25: {  	[simem:s6], [sflag:s4] =	dma.local [hbm:s3], $0xF7A  }
0x26: {  	[smem:$0x3F95] =	sst s1;
	(tag) =	ssettag s2;
	_ =	strace s9  }
0x27: {  	s1 =	sld [smem:$0x3FA5]  }
0x28: {  	s2 =	sld [smem:$0x3FA6]  }
0x29: {  	s4 =	sld [smem:$0x3FA8]  }
0x2a: {  	p0 =	seq.s32 s5, $0x0;
	s5 =	sld [smem:$0x3FA9]  }
0x2b: {  	s6 =	sld [smem:$0x3FAA]  }
0x2c: {  	s7 =	sld [smem:$0x3FAB]  }
0x2d: {  	s3 =	simm.s32 $0x108;
	s8 =	sld [smem:$0x3FAC]  }
0x2e: {  	s3 =	simm.s32 @!p0 $0x1082;
	s9 =	sld [smem:$0x3FAD]  }
0x2f: {  	lr =	sadd.s32 s0, s3;
	s0 =	sld [smem:$0x3FA4]  }
0x30: {  	s3 =	sld [smem:$0x3FA7]  }
0x31: {  	[smem:$0x3FB0] =	sst s10  }
0x32: {  	s10 =	sld [smem:$0x3FAE];
	_ =	sdelay $0x3  }
0x33: {  	p0 =	seq.s32 s10, $0x1;
	s10 =	sld [smem:$0x3FB0];
	_ =	sdelay $0x3  }
0x34: {  	[smem:$0x3FB0] =	sst s10  }
0x35: {  	s10 =	sld [smem:$0x3FAF];
	_ =	sdelay $0x3  }
0x36: {  	p1 =	seq.s32 s10, $0x1;
	s10 =	sld [smem:$0x3FB0];
	_ =	sdelay $0x3  }
0x37: {  	[smem:$0x3FB0] =	sst s10  }
0x38: {  	s10 =	sld [smem:$0x3FB1]  }
0x39: {  	_ = 	snop;
	(pc) =	sbr.ind lr, $3  }
0x3a: {  	_ = 	snop  }
0x3b: {  	_ = 	snop  }
0x3c: {  	p2 =	seq.s32 s10, $0x1;
	s10 =	sld [smem:$0x3FB0]  }
0x3d: {  	_ =	shalt  }
0x3e: {  	_ =	shalt  }
0x3f: {  	_ =	shalt  }
0x40: {  	_ =	shalt  }
0x41: {  	_ =	shalt  }
0x42: {  	_ =	shalt  }
0x43: {  	_ =	shalt  }
0x44: {  	_ =	shalt  }
0x45: {  	_ =	shalt  }
0x46: {  	_ =	shalt  }
0x47: {  	_ =	shalt  }
0x48: {  	_ =	shalt  }
0x49: {  	_ =	shalt  }
0x4a: {  	_ =	shalt  }
0x4b: {  	_ =	shalt  }
0x4c: {  	_ =	shalt  }
0x4d: {  	_ =	shalt  }
0x4e: {  	_ =	shalt  }
0x4f: {  	_ =	shalt  }
0x50: {  	_ =	shalt  }
0x51: {  	_ =	shalt  }
0x52: {  	_ =	shalt  }
0x53: {  	_ =	shalt  }
0x54: {  	_ =	shalt  }
0x55: {  	_ =	shalt  }
0x56: {  	_ =	shalt  }
0x57: {  	_ =	shalt  }
0x58: {  	_ =	shalt  }
0x59: {  	_ =	shalt  }
0x5a: {  	_ =	shalt  }
0x5b: {  	_ =	shalt  }
0x5c: {  	_ =	shalt  }
0x5d: {  	_ =	shalt  }
0x5e: {  	_ =	shalt  }
0x5f: {  	_ =	shalt  }
0x60: {  	_ =	shalt  }
0x61: {  	_ =	shalt  }
0x62: {  	_ =	shalt  }
0x63: {  	_ =	shalt  }
0x64: {  	_ =	shalt  }
0x65: {  	_ =	shalt  }
0x66: {  	_ =	shalt  }
0x67: {  	_ =	shalt  }
0x68: {  	_ =	shalt  }
0x69: {  	_ =	shalt  }
0x6a: {  	_ =	shalt  }
0x6b: {  	_ =	shalt  }
0x6c: {  	_ =	shalt  }
0x6d: {  	_ =	shalt  }
0x6e: {  	_ =	shalt  }
0x6f: {  	_ =	shalt  }
0x70: {  	_ =	shalt  }
0x71: {  	_ =	shalt  }
0x72: {  	_ =	shalt  }
0x73: {  	_ =	shalt  }
0x74: {  	_ =	shalt  }
0x75: {  	_ =	shalt  }
0x76: {  	_ =	shalt  }
0x77: {  	_ =	shalt  }
0x78: {  	_ =	shalt  }
0x79: {  	_ =	shalt  }
0x7a: {  	_ =	shalt  }
0x7b: {  	_ =	shalt  }
0x7c: {  	_ =	shalt  }
0x7d: {  	_ =	shalt  }
0x7e: {  	_ =	shalt  }
0x7f: {  	_ =	shalt  }
0x80: {  	_ =	shalt  }
0x81: {  	_ =	shalt  }
0x82: {  	_ =	shalt  }
0x83: {  	_ =	shalt  }
0x84: {  	_ =	shalt  }
0x85: {  	_ =	shalt  }
0x86: {  	_ =	shalt  }
0x87: {  	_ =	shalt  }
.Lfunc_end0:
.L_simem_size_0:
called_computation_lowered:
.L_overlay_start_0:
0x88: {  	s2 =	sld [smem:$0x3FD9]  }
0x89: {  	s3 =	sld [smem:$0x3FFE];
	_ =	sdelay $0x1  }
0x8a: {  	s1 =	srdreg.scid  }
0x8b: {  	s0 =	sand.u32 $0x1, s1  }
0x8c: {  	s17 =	sshll.u32 s0, $0xA;
	s2 =	sadd.s32 s3, s2  }
0x8d: {  	s2 =	sadd.s32 s2, s17  }
0x8e: {  	[smem:$0x3FBC] =	sst s2  }
0x8f: {  	_ = 	snop  }
0x90: {  	s2 =	sld [smem:$0x3FD0];
	(tm) =	ssettm $0x1  }
0x91: {  	s18 =	sld [smem:$0x3FFB];
	_ =	sdelay $0x3  }
0x92: {  	_ =	strace s18  }
0x93: {  	s3 =	sld [smem:$0x3FFC];
	_ =	sdelay $0x3  }
0x94: {  	_ =	strace s3  }
0x95: {  	s3 =	sld [smem:$0x3FFD];
	_ =	sdelay $0x3  }
0x96: {  	_ =	strace s3  }
0x97: {  	_ =	strace $0x8FFFFFFF  }
0x98: {  	s19 =	sld [smem:$0x3FDB];
	_ =	sdelay $0x1  }
0x99: {  	s4 =	simm.s32 $_scs_section_size  }
0x9a: {  	s5 =	simm.s32 $_size__tile_overlayer_lowered;
	s6 =	simm.s32 $_tile_overlayer_lowered  }
0x9b: {  	s22 =	simm.s32 $0x1BFF;
	s21 =	sshll.u32 s6, $0x1;
	s3 =	sadd.s32 s4, s19  }
0x9c: {  	s7 =	simm.s32 $0x0;
	s20 =	sshll.u32 s5, $0x1;
	s5 =	sadd.s32 s21, s3  }
0x9d: {  	[timem:s7], [sflag:s22] =	dma.local [hbm:s5], s20  }
0x9e: {  	_ =	swait.ge [sflag:s22], s20  }
0x9f: {  	s4 =	ssub.s32 $0x0, s20;
	[sflag:s22] =	ssyncset.done $0x0  }
0xa0: {  	[sflag:s22] =	ssyncadd.s32 s4;
	_ =	sdelay $0x1  }
0xa1: {  	s23 =	simm.s32 $0x1B8B  }
0xa2: {  	_ =	swait.ge [sflag:s23], $0x1  }
0xa3: {  	[sflag:s23] =	ssyncset.done $0x0  }
0xa4: {  	s25 =	simm.s32 $0x1B8E;
	s24 =	sld [smem:$0x3FFE];
	[sflag:s23] =	ssyncadd.s32 $0xFFFFFFFF  }
0xa5: {  	s26 =	simm.s32 $execute0_lowered;
	[smem:$0x3FD2] =	sst s25  }
0xa6: {  	s5 =	sshll.u32 s26, $0x1;
	_ =	strace $0x80000046;
	[dreg:$0x1] =	wrdreg $0xFFFFFFFF  }
0xa7: {  	s28 =	simm.s32 $_size_execute0_lowered;
	s3 =	sadd.s32 s3, s5;
	[dreg:$0x0] =	wrdreg $0x0  }
0xa8: {  	s5 =	sshll.u32 s28, $0x1;
	[dreg:$0x2] =	wrdreg s3  }
0xa9: {  	[dreg:$0x3] =	wrdreg s5  }
0xaa: {  	[dreg:$0x4] =	wrdreg $0xC0  }
0xab: {  	_ =	task [dreg:s7], $0x5FFFF  }
0xac: {  	[dreg:$0x1] =	wrdreg $0xFFFFFFFF  }
0xad: {  	[dreg:$0x0] =	wrdreg $0x60  }
0xae: {  	[dreg:$0x2] =	wrdreg s2  }
0xaf: {  	[dreg:$0x3] =	wrdreg s24  }
0xb0: {  	[dreg:$0x4] =	wrdreg $0x0  }
0xb1: {  	[dreg:$0x5] =	wrdreg $0x9  }
0xb2: {  	_ =	task.clear_ibuf [dreg:s7], $0x6FFFF;
	_ =	strace $0x90000046  }
0xb3: {  	s29 =	simm.s32 $0x9;
	_ =	strace $0x80000048  }
0xb4: {  	_ =	swait.ge [sflag:s29], $0x1  }
0xb5: {  	[sflag:s29] =	ssyncadd.s32 $0xFFFFFFFF  }
0xb6: {  	_ =	strace $0x90000048  }
0xb7: {  	_ =	sfence  }
0xb8: {  	s30 =	sld [smem:$0x0];
	_ =	sdelay $0x2  }
0xb9: {  	s31 =	sshll.u32 s1, $0xD;
	s1 =	sshrl.u32 s1, $0x2  }
0xba: {  	s3 =	sand.u32 $0x4000, s31;
	s1 =	sadd.s32 s1, s30  }
0xbb: {  	s0 =	sor.u32 s3, s0;
	s1 =	sshll.u32 s1, $0x11  }
0xbc: {  	s0 =	sor.u32 s1, s0  }
0xbd: {  	s0 =	sadd.s32 $0x8F2B, s0  }
0xbe: {  	[sflag:s0] =	ssyncadd.remote.s32 $0x1  }
0xbf: {  	_ =	sfence.sel $0xFFFF  }
0xc0: {  	[dreg:$0x0] =	wrdreg $0xFFFFFFFF;
	(pc) =	sbr.abs _section_cstart, $3  }
0xc1: {  	[dreg:$0x1] =	wrdreg $0xFFFFFFFF  }
0xc2: {  	_ =	task.clear_ibuf [dreg:s7], $0x2FFFF;
	_ =	strace $0x9FFFFFFF  }
0xc3: {  	(tm) =	ssettm $0x7FFFFFFF  }
tec
execute0_lowered:
.L_overlay_start_1:
0x0: {  	(tag) =	ssettag $0x1  }
0x1: {  	s7 =	rddreg [dreg:$0x0]  }
0x2: {  	s5 =	rddreg [dreg:$0x1]  }
0x3: {  	s2 =	rddreg [dreg:$0x2]  }
0x4: {  	s0 =	rddreg [dreg:$0x3]  }
0x5: {  	s3 =	simm.s32 $0x0;
	s1 =	stileid.u32;
	s4 =	srdreg.scid  }
0x6: {  	s13 =	simm.s32 $0x80;
	[smem:$0x7FF] =	sst s3;
	s14 =	smul.u32 $0x2800, s1  }
0x7: {  	s6 =	sand.u32 $0x1, s4;
	s4 =	sadd.s32 $0x2C600, s5;
	s10 =	smul.u32 $0x50000, s1  }
0x8: {  	s31 =	sshll.u32 s1, $0x6;
	_ =	strace $0x80000047;
	s8 =	smul.u32 $0x28000, s6  }
0x9: {  	s11 =	sshll.u32 s6, $0x4;
	s28 =	ssub.s32 $0x2, s6;
	s6 =	sor.u32 $0x1C01, s31  }
0xa: {  	s9 =	sadd.s32 s14, s5;
	s29 =	sor.u32 s1, s11;
	s30 =	sshrl.u32 s28, $0x1  }
0xb: {  	s10 =	sshrl.u32 s10, $0x2;
	s8 =	sadd.s32 s8, s5;
	s12 =	smul.u32 $0x500, s29  }
0xc: {  	s11 =	ssub.s32 s28, s30;
	s10 =	sadd.s32 s10, s2;
	s5 =	sadd.s32 $0x4600, s9  }
0xd: {  	s15 =	sadd.s32 $0x2CE00, s8;
	s8 =	smax.u32 s11, $0x1;
	s9 =	sshrl.u32 s10, $0x3  }
0xe: {  	s10 =	simm.s32 $0x1;
	s11 =	simm.s32 $0x14000;
	s7 =	sadd.s32 s7, s12  }
0xf: {  	s12 =	simm.s32 $0x16800;
	s14 =	sadd.s32 s14, s15;
	s15 =	simm.s32 $0x0  }
.LBB2_1:
0x10: {  	[spmem:s9], [sflag:s6] =	dma.local [hbm:s5], $0x2800  }
0x11: {  	_ =	swait.ge [sflag:s10], $0x2800  }
0x12: {  	[sflag:s10] =	ssyncset.done $0x0  }
0x13: {  	[sflag:s10] =	ssyncadd.s32 $0xFFFFD800  }
0x14: {  	[tilespmem:s11], [sflag:$0x1] =	stream.linear.gather [hbm4b:s7+s3], $0x2780, $0x38;
	[tilespmem:$0x1A800] =	vst v63  }
0x15: {  	_ =	swait.ge [sflag:s10], $0x2780  }
0x16: {  	[sflag:s10] =	ssyncset.done $0x0  }
0x17: {  	[sflag:s10] =	ssyncadd.s32 $0xFFFFD880  }
0x18: {  	[tilespmem:s12], [sflag:$0x1] =	stream.linear.gather [hbm4b:s4+s3], $0x4000, $0x38;
	[tilespmem:$0x1A800] =	vst v63  }
0x19: {  	_ =	swait.ge [sflag:s10], $0x4000  }
0x1a: {  	[sflag:s10] =	ssyncset.done $0x0  }
0x1b: {  	[sflag:s10] =	ssyncadd.s32 $0xFFFFC000  }
0x1c: {  	s16 =	simm.s32 $0x14000;
	[bflag:$0x0] =	sbarrier.arrive $0xFFFF  }
0x1d: {  	[spmem:s2] =	stream.indirect.scatter.add.f32 [tilespmem:s12], [sflag:$0x1], $0x80, s16, s13, $0xb8;
	[tilespmem:$0x1A800] =	vst v63  }
0x1e: {  	s16 =	simm.s32 $0x200;
	_ =	swait.ge [sflag:s10], $0x4000  }
.LBB2_2:
0x1f: {  	s17 =	sshra.s32 s16, $0x2;
	[sflag:s10] =	ssyncset.done $0x0;
	p0 =	sne.s32 s16, $0x9C00  }
.Ltmp0:
0x20: {  	s17 =	sadd.s32 $0x14000, s17;
	[sflag:s10] =	ssyncadd.s32 $0xFFFFC000;
	(pc) =	sbr.rel @p0 .LBB2_2-.Ltmp0, $3  }
0x21: {  	[spmem:s2] =	stream.indirect.scatter.add.f32 [tilespmem:s12], [sflag:$0x1], $0x80, s17, s13, $0xb8;
	[tilespmem:$0x1A800] =	vst v63  }
0x22: {  	s16 =	sadd.s32 $0x200, s16;
	_ =	sdelay $0x1  }
0x23: {  	_ =	swait.ge [sflag:s10], $0x4000  }
0x24: {  	[sflag:s10] =	ssyncset.done $0x0;
	s15 =	sadd.s32 $0x1, s15  }
0x25: {  	[sflag:s10] =	ssyncadd.s32 $0xFFFFC000;
	p0 =	sne.s32 s15, s8  }
.Ltmp1:
0x26: {  	[bflag:$0x0] =	sbarrier.arrive $0xFFFF;
	(pc) =	sbr.rel @p0 .LBB2_1-.Ltmp1, $4  }
0x27: {  	[hbm:s14], [sflag:s6] =	dma.local [spmem:s9], $0x2800  }
0x28: {  	_ =	swait.ge [sflag:s10], $0x2800  }
0x29: {  	[sflag:s10] =	ssyncset.done $0x0  }
0x2a: {  	[sflag:s10] =	ssyncadd.s32 $0xFFFFD800  }
0x2b: {  	_ =	sfence.sel $0x180000  }
0x2c: {  	[bflag:$0x0] =	sbarrier.arrive $0xFFFF  }
0x2d: {  	p0 =	sne.s32 s1, $0x0;
	_ =	strace $0x90000047  }
0x2e: {  	s0 =	sadd.s32 @!p0 $0x100000, s0;
	[bflag:$0x2] =	sbarrier.arrive $0xFFFF  }
0x2f: {  	[sflag:s0] =	ssyncadd.tile.s32 @!p0 $0x1;
	_ =	shalt  }
.Lfunc_end2:
_tile_overlayer_lowered:
.L_overlay_start_2:
0x30: {  	(tag) =	ssettag $0x2  }
0x31: {  	s0 =	rddreg [dreg:$0x0];
	s2 =	stileid.u32  }
0x32: {  	s1 =	rddreg [dreg:$0x1];
	p0 =	sne.s32 s2, $0x0  }
0x33: {  	s3 =	rddreg [dreg:$0x2];
	[bflag:$0x3] =	sbarrier.arrive $0xFFFF;
	s2 =	simm.s32 @!p0 $0x1C01  }
0x34: {  	[timem:s3], [sflag:s2] =	dma.local @!p0 [hbm:s0], s1  }
0x35: {  	s0 =	simm.s32 @!p0 $0x1  }
0x36: {  	_ =	swait.ge @!p0 [sflag:s0], s1  }
0x37: {  	s1 =	ssub.s32 @!p0 $0x0, s1;
	[sflag:s0] =	ssyncset.done @!p0 $0x0  }
0x38: {  	[sflag:s0] =	ssyncadd.s32 @!p0 s1  }
0x39: {  	[bflag:$0x3] =	sbarrier.arrive $0xFFFF  }
0x3a: {  	_ =	shalt  }

// kernel: kernel.13.cloned.1.call-start
scs
__scs_entry_jumppad:
0x0: {  	(pc) =	sbr.rel $0x88, $3  }
0x1: {  	(tag) =	ssettag $0x0;
	lr =	simm.s32 $0x1  }
0x2: {  	[smem:$0x3F95] =	sst lr;
	_ =	strace $0xD0000000  }
0x3: {  	_ = 	snop  }
0x4: {  	_ = 	snop  }
0x5: {  	_ = 	snop  }
0x6: {  	_ = 	snop  }
0x7: {  	_ = 	snop  }
__scs_overlays_trampoline_lowered:
0x8: {  	[smem:$0x3FA4] =	sst s0  }
0x9: {  	[smem:$0x3FA5] =	sst s1  }
0xa: {  	[smem:$0x3FA6] =	sst s2  }
0xb: {  	[smem:$0x3FA7] =	sst s3  }
0xc: {  	[smem:$0x3FA8] =	sst s4  }
0xd: {  	[smem:$0x3FA9] =	sst s5  }
0xe: {  	[smem:$0x3FAA] =	sst s6  }
0xf: {  	[smem:$0x3FAB] =	sst s7  }
0x10: {  	[smem:$0x3FAC] =	sst s8  }
0x11: {  	[smem:$0x3FAD] =	sst s9;
	s0 =	simm.s32 @!p0 $0x0  }
0x12: {  	s1 =	sld [smem:$0x3F93];
	s0 =	simm.s32 @p0 $0x1  }
0x13: {  	[smem:$0x3FAE] =	sst s0;
	s0 =	simm.s32 @!p1 $0x0  }
0x14: {  	s2 =	sld [smem:$0x3F92];
	s0 =	simm.s32 @p1 $0x1  }
0x15: {  	[smem:$0x3FAF] =	sst s0;
	s0 =	simm.s32 @!p2 $0x0  }
0x16: {  	s3 =	sld [smem:$0x3FDB];
	s0 =	simm.s32 @p2 $0x1  }
0x17: {  	s4 =	simm.s32 $0x1BF5;
	[smem:$0x3FB1] =	sst s0  }
0x18: {  	s0 =	sld [smem:$0x3F94];
	_ =	swait.ge [sflag:s4], $0x0  }
0x19: {  	s7 =	sld [smem:$0x3F95]  }
0x1a: {  	s8 =	sadd.s32 $0xFFFFE003, lr  }
0x1b: {  	s9 =	sadd.s32 $0xFFFFFEF7, lr;
	s5 =	simm.s32 $0xFFFFFFFF;
	p2 =	slt.u32 s8, $0xFFFFF086  }
0x1c: {  	p1 =	slt.u32 s9, $0xF7A;
	s5 =	simm.s32 @!p2 $0x0  }
0x1d: {  	s5 =	simm.s32 @p1 $0x1;
	p0 =	seq.s32 s7, s2  }
0x1e: {  	s7 =	smul.u32 @!p0 $0xF7A, s2;
	p2 =	seq.s32 @!p0 s5, $0x0  }
0x1f: {  	s9 =	smul.u32 $0xF7A, s1;
	s8 =	simm.s32 @!p0 $0x1BF5;
	p2 =	por !p2, p0  }
0x20: {  	[sflag:s8] =	ssyncset.s32 @!p0 $0xFFFFF086;
	s6 =	sadd.s32 @!p0 s3, s7;
	s7 =	simm.s32 @!p0 $0x108  }
0x21: {  	s3 =	sadd.s32 s3, s9;
	s6 =	sadd.s32 @!p0 $0x88, s6;
	s7 =	simm.s32 @p2 $0x1082  }
0x22: {  	[simem:s7], [sflag:s8] =	dma.local @!p0 [hbm:s6], $0xF7A  }
0x23: {  	s9 =	sor.u32 $0xD0000000, s2;
	s6 =	simm.s32 $0x108;
	_ =	swait.ge @!p0 [sflag:s8], $0x0  }
0x24: {  	s3 =	sadd.s32 $0x88, s3;
	s6 =	simm.s32 @!p1 $0x1082;
	[sflag:s4] =	ssyncset.s32 $0xFFFFF086  }
0x25: {  	[simem:s6], [sflag:s4] =	dma.local [hbm:s3], $0xF7A  }
0x26: {  	[smem:$0x3F95] =	sst s1;
	(tag) =	ssettag s2;
	_ =	strace s9  }
0x27: {  	s1 =	sld [smem:$0x3FA5]  }
0x28: {  	s2 =	sld [smem:$0x3FA6]  }
0x29: {  	s4 =	sld [smem:$0x3FA8]  }
0x2a: {  	p0 =	seq.s32 s5, $0x0;
	s5 =	sld [smem:$0x3FA9]  }
0x2b: {  	s6 =	sld [smem:$0x3FAA]  }
0x2c: {  	s7 =	sld [smem:$0x3FAB]  }
0x2d: {  	s3 =	simm.s32 $0x108;
	s8 =	sld [smem:$0x3FAC]  }
0x2e: {  	s3 =	simm.s32 @!p0 $0x1082;
	s9 =	sld [smem:$0x3FAD]  }
0x2f: {  	lr =	sadd.s32 s0, s3;
	s0 =	sld [smem:$0x3FA4]  }
0x30: {  	s3 =	sld [smem:$0x3FA7]  }
0x31: {  	[smem:$0x3FB0] =	sst s10  }
0x32: {  	s10 =	sld [smem:$0x3FAE];
	_ =	sdelay $0x3  }
0x33: {  	p0 =	seq.s32 s10, $0x1;
	s10 =	sld [smem:$0x3FB0];
	_ =	sdelay $0x3  }
0x34: {  	[smem:$0x3FB0] =	sst s10  }
0x35: {  	s10 =	sld [smem:$0x3FAF];
	_ =	sdelay $0x3  }
0x36: {  	p1 =	seq.s32 s10, $0x1;
	s10 =	sld [smem:$0x3FB0];
	_ =	sdelay $0x3  }
0x37: {  	[smem:$0x3FB0] =	sst s10  }
0x38: {  	s10 =	sld [smem:$0x3FB1]  }
0x39: {  	_ = 	snop;
	(pc) =	sbr.ind lr, $3  }
0x3a: {  	_ = 	snop  }
0x3b: {  	_ = 	snop  }
0x3c: {  	p2 =	seq.s32 s10, $0x1;
	s10 =	sld [smem:$0x3FB0]  }
0x3d: {  	_ =	shalt  }
0x3e: {  	_ =	shalt  }
0x3f: {  	_ =	shalt  }
0x40: {  	_ =	shalt  }
0x41: {  	_ =	shalt  }
0x42: {  	_ =	shalt  }
0x43: {  	_ =	shalt  }
0x44: {  	_ =	shalt  }
0x45: {  	_ =	shalt  }
0x46: {  	_ =	shalt  }
0x47: {  	_ =	shalt  }
0x48: {  	_ =	shalt  }
0x49: {  	_ =	shalt  }
0x4a: {  	_ =	shalt  }
0x4b: {  	_ =	shalt  }
0x4c: {  	_ =	shalt  }
0x4d: {  	_ =	shalt  }
0x4e: {  	_ =	shalt  }
0x4f: {  	_ =	shalt  }
0x50: {  	_ =	shalt  }
0x51: {  	_ =	shalt  }
0x52: {  	_ =	shalt  }
0x53: {  	_ =	shalt  }
0x54: {  	_ =	shalt  }
0x55: {  	_ =	shalt  }
0x56: {  	_ =	shalt  }
0x57: {  	_ =	shalt  }
0x58: {  	_ =	shalt  }
0x59: {  	_ =	shalt  }
0x5a: {  	_ =	shalt  }
0x5b: {  	_ =	shalt  }
0x5c: {  	_ =	shalt  }
0x5d: {  	_ =	shalt  }
0x5e: {  	_ =	shalt  }
0x5f: {  	_ =	shalt  }
0x60: {  	_ =	shalt  }
0x61: {  	_ =	shalt  }
0x62: {  	_ =	shalt  }
0x63: {  	_ =	shalt  }
0x64: {  	_ =	shalt  }
0x65: {  	_ =	shalt  }
0x66: {  	_ =	shalt  }
0x67: {  	_ =	shalt  }
0x68: {  	_ =	shalt  }
0x69: {  	_ =	shalt  }
0x6a: {  	_ =	shalt  }
0x6b: {  	_ =	shalt  }
0x6c: {  	_ =	shalt  }
0x6d: {  	_ =	shalt  }
0x6e: {  	_ =	shalt  }
0x6f: {  	_ =	shalt  }
0x70: {  	_ =	shalt  }
0x71: {  	_ =	shalt  }
0x72: {  	_ =	shalt  }
0x73: {  	_ =	shalt  }
0x74: {  	_ =	shalt  }
0x75: {  	_ =	shalt  }
0x76: {  	_ =	shalt  }
0x77: {  	_ =	shalt  }
0x78: {  	_ =	shalt  }
0x79: {  	_ =	shalt  }
0x7a: {  	_ =	shalt  }
0x7b: {  	_ =	shalt  }
0x7c: {  	_ =	shalt  }
0x7d: {  	_ =	shalt  }
0x7e: {  	_ =	shalt  }
0x7f: {  	_ =	shalt  }
0x80: {  	_ =	shalt  }
0x81: {  	_ =	shalt  }
0x82: {  	_ =	shalt  }
0x83: {  	_ =	shalt  }
0x84: {  	_ =	shalt  }
0x85: {  	_ =	shalt  }
0x86: {  	_ =	shalt  }
0x87: {  	_ =	shalt  }
.Lfunc_end0:
.L_simem_size_0:
called_computation.1_lowered:
.L_overlay_start_0:
0x88: {  	s2 =	sld [smem:$0x3FD9]  }
0x89: {  	s3 =	sld [smem:$0x3FFE];
	_ =	sdelay $0x1  }
0x8a: {  	s1 =	srdreg.scid  }
0x8b: {  	s0 =	sand.u32 $0x1, s1  }
0x8c: {  	s17 =	sshll.u32 s0, $0xA;
	s2 =	sadd.s32 s3, s2  }
0x8d: {  	s2 =	sadd.s32 s2, s17  }
0x8e: {  	[smem:$0x3FBC] =	sst s2  }
0x8f: {  	_ = 	snop  }
0x90: {  	s2 =	sld [smem:$0x3FD0];
	(tm) =	ssettm $0x1  }
0x91: {  	s18 =	sld [smem:$0x3FFB];
	_ =	sdelay $0x3  }
0x92: {  	_ =	strace s18  }
0x93: {  	s3 =	sld [smem:$0x3FFC];
	_ =	sdelay $0x3  }
0x94: {  	_ =	strace s3  }
0x95: {  	s3 =	sld [smem:$0x3FFD];
	_ =	sdelay $0x3  }
0x96: {  	_ =	strace s3  }
0x97: {  	_ =	strace $0x8FFFFFFF  }
0x98: {  	s19 =	sld [smem:$0x3FDB];
	_ =	sdelay $0x1  }
0x99: {  	s4 =	simm.s32 $_scs_section_size  }
0x9a: {  	s5 =	simm.s32 $_size__tile_overlayer_lowered;
	s6 =	simm.s32 $_tile_overlayer_lowered  }
0x9b: {  	s22 =	simm.s32 $0x1BFF;
	s21 =	sshll.u32 s6, $0x1;
	s3 =	sadd.s32 s4, s19  }
0x9c: {  	s7 =	simm.s32 $0x0;
	s20 =	sshll.u32 s5, $0x1;
	s5 =	sadd.s32 s21, s3  }
0x9d: {  	[timem:s7], [sflag:s22] =	dma.local [hbm:s5], s20  }
0x9e: {  	_ =	swait.ge [sflag:s22], s20  }
0x9f: {  	s4 =	ssub.s32 $0x0, s20;
	[sflag:s22] =	ssyncset.done $0x0  }
0xa0: {  	[sflag:s22] =	ssyncadd.s32 s4;
	_ =	sdelay $0x1  }
0xa1: {  	s23 =	simm.s32 $0x1B8B  }
0xa2: {  	_ =	swait.ge [sflag:s23], $0x1  }
0xa3: {  	[sflag:s23] =	ssyncset.done $0x0  }
0xa4: {  	s25 =	simm.s32 $0x1B8E;
	s24 =	sld [smem:$0x3FFE];
	[sflag:s23] =	ssyncadd.s32 $0xFFFFFFFF  }
0xa5: {  	s26 =	simm.s32 $execute0_lowered;
	[smem:$0x3FD2] =	sst s25  }
0xa6: {  	s5 =	sshll.u32 s26, $0x1;
	_ =	strace $0x80000049;
	[dreg:$0x1] =	wrdreg $0xFFFFFFFF  }
0xa7: {  	s28 =	simm.s32 $_size_execute0_lowered;
	s3 =	sadd.s32 s3, s5;
	[dreg:$0x0] =	wrdreg $0x0  }
0xa8: {  	s5 =	sshll.u32 s28, $0x1;
	[dreg:$0x2] =	wrdreg s3  }
0xa9: {  	[dreg:$0x3] =	wrdreg s5  }
0xaa: {  	[dreg:$0x4] =	wrdreg $0xC0  }
0xab: {  	_ =	task [dreg:s7], $0x5FFFF  }
0xac: {  	[dreg:$0x1] =	wrdreg $0xFFFFFFFF  }
0xad: {  	[dreg:$0x0] =	wrdreg $0x60  }
0xae: {  	[dreg:$0x2] =	wrdreg s24  }
0xaf: {  	[dreg:$0x3] =	wrdreg s2  }
0xb0: {  	[dreg:$0x4] =	wrdreg $0x0  }
0xb1: {  	[dreg:$0x5] =	wrdreg $0x9  }
0xb2: {  	_ =	task.clear_ibuf [dreg:s7], $0x6FFFF;
	_ =	strace $0x90000049  }
0xb3: {  	s29 =	simm.s32 $0x9;
	_ =	strace $0x8000004B  }
0xb4: {  	_ =	swait.ge [sflag:s29], $0x1  }
0xb5: {  	[sflag:s29] =	ssyncadd.s32 $0xFFFFFFFF  }
0xb6: {  	_ =	strace $0x9000004B  }
0xb7: {  	_ =	sfence  }
0xb8: {  	s30 =	sld [smem:$0x0];
	_ =	sdelay $0x2  }
0xb9: {  	s31 =	sshll.u32 s1, $0xD;
	s1 =	sshrl.u32 s1, $0x2  }
0xba: {  	s3 =	sand.u32 $0x4000, s31;
	s1 =	sadd.s32 s1, s30  }
0xbb: {  	s0 =	sor.u32 s3, s0;
	s1 =	sshll.u32 s1, $0x11  }
0xbc: {  	s0 =	sor.u32 s1, s0  }
0xbd: {  	s0 =	sadd.s32 $0x8F2B, s0  }
0xbe: {  	[sflag:s0] =	ssyncadd.remote.s32 $0x1  }
0xbf: {  	_ =	sfence.sel $0xFFFF  }
0xc0: {  	[dreg:$0x0] =	wrdreg $0xFFFFFFFF;
	(pc) =	sbr.abs _section_cstart, $3  }
0xc1: {  	[dreg:$0x1] =	wrdreg $0xFFFFFFFF  }
0xc2: {  	_ =	task.clear_ibuf [dreg:s7], $0x2FFFF;
	_ =	strace $0x9FFFFFFF  }
0xc3: {  	(tm) =	ssettm $0x7FFFFFFF  }
tec
execute0_lowered:
.L_overlay_start_1:
0x0: {  	(tag) =	ssettag $0x1  }
0x1: {  	s5 =	rddreg [dreg:$0x0]  }
0x2: {  	s8 =	rddreg [dreg:$0x1]  }
0x3: {  	s0 =	srdreg.scid;
	s2 =	rddreg [dreg:$0x2]  }
0x4: {  	s3 =	simm.s32 $0x0;
	s6 =	sand.u32 $0x1, s0;
	s0 =	stileid.u32  }
0x5: {  	s15 =	simm.s32 $0x19000;
	[smem:$0x7FF] =	sst s3;
	s16 =	smul.u32 $0x2800, s0  }
0x6: {  	s1 =	sshll.u32 s6, $0x4;
	s7 =	smul.u32 $0x28000, s6;
	s6 =	ssub.s32 $0x2, s6  }
0x7: {  	s11 =	smul.u32 $0x50000, s0;
	s31 =	sshll.u32 s0, $0x6;
	s4 =	sor.u32 s0, s1  }
0x8: {  	s1 =	rddreg [dreg:$0x3];
	_ =	strace $0x8000004A;
	s29 =	sshrl.u32 s6, $0x1  }
0x9: {  	s9 =	smul.u32 $0x500, s4;
	s4 =	sadd.s32 $0x86E00, s5;
	s12 =	sadd.s32 s16, s5  }
0xa: {  	s13 =	sadd.s32 s7, s5;
	s14 =	ssub.s32 s6, s29;
	s30 =	sshrl.u32 s11, $0x2  }
0xb: {  	s6 =	sor.u32 $0x1C01, s31;
	s11 =	sadd.s32 s30, s2;
	s17 =	sadd.s32 $0xAEE00, s13  }
0xc: {  	s13 =	simm.s32 $0x16800;
	s10 =	sadd.s32 s9, s5;
	s5 =	sadd.s32 $0x4600, s12  }
0xd: {  	s8 =	sadd.s32 s8, s9;
	s9 =	smax.u32 s14, $0x1;
	s12 =	simm.s32 $0x14000  }
0xe: {  	s14 =	simm.s32 $0x80;
	s16 =	sadd.s32 s16, s17;
	s17 =	simm.s32 $0x0  }
0xf: {  	s7 =	sadd.s32 $0x7CE00, s10;
	s10 =	sshrl.u32 s11, $0x3;
	s11 =	simm.s32 $0x1  }
.LBB2_1:
0x10: {  	[spmem:s10], [sflag:s6] =	dma.local [hbm:s5], $0x2800  }
0x11: {  	_ =	swait.ge [sflag:s11], $0x2800  }
0x12: {  	[sflag:s11] =	ssyncset.done $0x0  }
0x13: {  	[sflag:s11] =	ssyncadd.s32 $0xFFFFD800  }
0x14: {  	[tilespmem:s12], [sflag:$0x1] =	stream.linear.gather [hbm4b:s7+s3], $0x2780, $0x38;
	[tilespmem:$0x1D000] =	vst v63  }
0x15: {  	_ =	swait.ge [sflag:s11], $0x2780  }
0x16: {  	[sflag:s11] =	ssyncset.done $0x0  }
0x17: {  	[sflag:s11] =	ssyncadd.s32 $0xFFFFD880  }
0x18: {  	[tilespmem:s13], [sflag:$0x1] =	stream.linear.gather [hbm4b:s8+s3], $0x2780, $0x38;
	[tilespmem:$0x1D000] =	vst v63  }
0x19: {  	_ =	swait.ge [sflag:s11], $0x2780  }
0x1a: {  	[sflag:s11] =	ssyncset.done $0x0  }
0x1b: {  	[sflag:s11] =	ssyncadd.s32 $0xFFFFD880  }
0x1c: {  	s18 =	simm.s32 $0x14000;
	[bflag:$0x0] =	sbarrier.arrive $0xFFFF  }
0x1d: {  	[tilespmem:s15], [sflag:$0x1] =	stream.indirect.gather [hbm4b:s4+s14], $0x80, s18, s14, $0xb8;
	[tilespmem:$0x1D000] =	vst v63  }
0x1e: {  	_ =	swait.ge [sflag:s11], $0x4000  }
0x1f: {  	[sflag:s11] =	ssyncset.done $0x0  }
0x20: {  	s31 =	simm.s32 $0x16800;
	[sflag:s11] =	ssyncadd.s32 $0xFFFFC000  }
0x21: {  	[spmem:s2] =	stream.indirect.scatter.add.f32 [tilespmem:s15], [sflag:$0x1], $0x80, s31, s14, $0xb8;
	[tilespmem:$0x1D000] =	vst v63  }
0x22: {  	_ =	swait.ge [sflag:s11], $0x4000  }
0x23: {  	s19 =	simm.s32 $0x400;
	s18 =	simm.s32 $0x80;
	[sflag:s11] =	ssyncset.done $0x0  }
.LBB2_2:
0x24: {  	s20 =	sadd.s32 $0x14000, s18  }
0x25: {  	[sflag:s11] =	ssyncadd.s32 $0xFFFFC000;
	s21 =	smov.u32 s19;
	s22 =	sadd.s32 $0x200, s19  }
0x26: {  	[tilespmem:s15], [sflag:$0x1] =	stream.indirect.gather [hbm4b:s4+s14], $0x80, s20, s14, $0xb8;
	[tilespmem:$0x1D000] =	vst v63  }
0x27: {  	p0 =	sne.s32 s19, $0x9C00;
	_ =	swait.ge [sflag:s11], $0x4000  }
.Ltmp0:
0x28: {  	[sflag:s11] =	ssyncset.done $0x0;
	(pc) =	sbr.rel @p0 .LBB2_2-.Ltmp0, $4  }
0x29: {  	s18 =	sadd.s32 $0x16800, s18;
	[sflag:s11] =	ssyncadd.s32 $0xFFFFC000  }
0x2a: {  	[spmem:s2] =	stream.indirect.scatter.add.f32 [tilespmem:s15], [sflag:$0x1], $0x80, s18, s14, $0xb8;
	[tilespmem:$0x1D000] =	vst v63  }
0x2b: {  	_ =	swait.ge [sflag:s11], $0x4000  }
0x2c: {  	s19 =	smov.u32 s22;
	s18 =	sshra.s32 s21, $0x2;
	[sflag:s11] =	ssyncset.done $0x0  }
0x2d: {  	s19 =	sadd.s32 $0x14000, s18;
	[sflag:s11] =	ssyncadd.s32 $0xFFFFC000  }
0x2e: {  	[tilespmem:s15], [sflag:$0x1] =	stream.indirect.gather [hbm4b:s4+s14], $0x80, s19, s14, $0xb8;
	[tilespmem:$0x1D000] =	vst v63  }
0x2f: {  	_ =	swait.ge [sflag:s11], $0x4000  }
0x30: {  	[sflag:s11] =	ssyncset.done $0x0  }
0x31: {  	s31 =	sadd.s32 $0x16800, s18;
	[sflag:s11] =	ssyncadd.s32 $0xFFFFC000  }
0x32: {  	[spmem:s2] =	stream.indirect.scatter.add.f32 [tilespmem:s15], [sflag:$0x1], $0x80, s31, s14, $0xb8;
	[tilespmem:$0x1D000] =	vst v63  }
0x33: {  	_ =	swait.ge [sflag:s11], $0x4000  }
0x34: {  	s17 =	sadd.s32 $0x1, s17;
	[sflag:s11] =	ssyncset.done $0x0  }
0x35: {  	p0 =	sne.s32 s17, s9;
	[sflag:s11] =	ssyncadd.s32 $0xFFFFC000  }
.Ltmp1:
0x36: {  	[bflag:$0x0] =	sbarrier.arrive $0xFFFF;
	(pc) =	sbr.rel @p0 .LBB2_1-.Ltmp1, $4  }
0x37: {  	[hbm:s16], [sflag:s6] =	dma.local [spmem:s10], $0x2800  }
0x38: {  	_ =	swait.ge [sflag:s11], $0x2800  }
0x39: {  	[sflag:s11] =	ssyncset.done $0x0  }
0x3a: {  	[sflag:s11] =	ssyncadd.s32 $0xFFFFD800  }
0x3b: {  	_ =	sfence.sel $0x180000  }
0x3c: {  	[bflag:$0x0] =	sbarrier.arrive $0xFFFF  }
0x3d: {  	p0 =	sne.s32 s0, $0x0;
	_ =	strace $0x9000004A  }
0x3e: {  	s0 =	sadd.s32 @!p0 $0x100000, s1;
	[bflag:$0x2] =	sbarrier.arrive $0xFFFF  }
0x3f: {  	[sflag:s0] =	ssyncadd.tile.s32 @!p0 $0x1;
	_ =	shalt  }
.Lfunc_end2:
_tile_overlayer_lowered:
.L_overlay_start_2:
0x40: {  	(tag) =	ssettag $0x2  }
0x41: {  	s0 =	rddreg [dreg:$0x0];
	s2 =	stileid.u32  }
0x42: {  	s1 =	rddreg [dreg:$0x1];
	p0 =	sne.s32 s2, $0x0  }
0x43: {  	s3 =	rddreg [dreg:$0x2];
	[bflag:$0x3] =	sbarrier.arrive $0xFFFF;
	s2 =	simm.s32 @!p0 $0x1C01  }
0x44: {  	[timem:s3], [sflag:s2] =	dma.local @!p0 [hbm:s0], s1  }
0x45: {  	s0 =	simm.s32 @!p0 $0x1  }
0x46: {  	_ =	swait.ge @!p0 [sflag:s0], s1  }
0x47: {  	s1 =	ssub.s32 @!p0 $0x0, s1;
	[sflag:s0] =	ssyncset.done @!p0 $0x0  }
0x48: {  	[sflag:s0] =	ssyncadd.s32 @!p0 s1  }
0x49: {  	[bflag:$0x3] =	sbarrier.arrive $0xFFFF  }
0x4a: {  	_ =	shalt  }

// kernel: kernel.16.cloned.1.call-start
scs
__scs_entry_jumppad:
0x0: {  	(pc) =	sbr.rel $0x88, $3  }
0x1: {  	(tag) =	ssettag $0x0;
	lr =	simm.s32 $0x1  }
0x2: {  	[smem:$0x3F95] =	sst lr;
	_ =	strace $0xD0000000  }
0x3: {  	_ = 	snop  }
0x4: {  	_ = 	snop  }
0x5: {  	_ = 	snop  }
0x6: {  	_ = 	snop  }
0x7: {  	_ = 	snop  }
__scs_overlays_trampoline_lowered:
0x8: {  	[smem:$0x3FA4] =	sst s0  }
0x9: {  	[smem:$0x3FA5] =	sst s1  }
0xa: {  	[smem:$0x3FA6] =	sst s2  }
0xb: {  	[smem:$0x3FA7] =	sst s3  }
0xc: {  	[smem:$0x3FA8] =	sst s4  }
0xd: {  	[smem:$0x3FA9] =	sst s5  }
0xe: {  	[smem:$0x3FAA] =	sst s6  }
0xf: {  	[smem:$0x3FAB] =	sst s7  }
0x10: {  	[smem:$0x3FAC] =	sst s8  }
0x11: {  	[smem:$0x3FAD] =	sst s9;
	s0 =	simm.s32 @!p0 $0x0  }
0x12: {  	s1 =	sld [smem:$0x3F93];
	s0 =	simm.s32 @p0 $0x1  }
0x13: {  	[smem:$0x3FAE] =	sst s0;
	s0 =	simm.s32 @!p1 $0x0  }
0x14: {  	s2 =	sld [smem:$0x3F92];
	s0 =	simm.s32 @p1 $0x1  }
0x15: {  	[smem:$0x3FAF] =	sst s0;
	s0 =	simm.s32 @!p2 $0x0  }
0x16: {  	s3 =	sld [smem:$0x3FDB];
	s0 =	simm.s32 @p2 $0x1  }
0x17: {  	s4 =	simm.s32 $0x1BF5;
	[smem:$0x3FB1] =	sst s0  }
0x18: {  	s0 =	sld [smem:$0x3F94];
	_ =	swait.ge [sflag:s4], $0x0  }
0x19: {  	s7 =	sld [smem:$0x3F95]  }
0x1a: {  	s8 =	sadd.s32 $0xFFFFE003, lr  }
0x1b: {  	s9 =	sadd.s32 $0xFFFFFEF7, lr;
	s5 =	simm.s32 $0xFFFFFFFF;
	p2 =	slt.u32 s8, $0xFFFFF086  }
0x1c: {  	p1 =	slt.u32 s9, $0xF7A;
	s5 =	simm.s32 @!p2 $0x0  }
0x1d: {  	s5 =	simm.s32 @p1 $0x1;
	p0 =	seq.s32 s7, s2  }
0x1e: {  	s7 =	smul.u32 @!p0 $0xF7A, s2;
	p2 =	seq.s32 @!p0 s5, $0x0  }
0x1f: {  	s9 =	smul.u32 $0xF7A, s1;
	s8 =	simm.s32 @!p0 $0x1BF5;
	p2 =	por !p2, p0  }
0x20: {  	[sflag:s8] =	ssyncset.s32 @!p0 $0xFFFFF086;
	s6 =	sadd.s32 @!p0 s3, s7;
	s7 =	simm.s32 @!p0 $0x108  }
0x21: {  	s3 =	sadd.s32 s3, s9;
	s6 =	sadd.s32 @!p0 $0x88, s6;
	s7 =	simm.s32 @p2 $0x1082  }
0x22: {  	[simem:s7], [sflag:s8] =	dma.local @!p0 [hbm:s6], $0xF7A  }
0x23: {  	s9 =	sor.u32 $0xD0000000, s2;
	s6 =	simm.s32 $0x108;
	_ =	swait.ge @!p0 [sflag:s8], $0x0  }
0x24: {  	s3 =	sadd.s32 $0x88, s3;
	s6 =	simm.s32 @!p1 $0x1082;
	[sflag:s4] =	ssyncset.s32 $0xFFFFF086  }
0x25: {  	[simem:s6], [sflag:s4] =	dma.local [hbm:s3], $0xF7A  }
0x26: {  	[smem:$0x3F95] =	sst s1;
	(tag) =	ssettag s2;
	_ =	strace s9  }
0x27: {  	s1 =	sld [smem:$0x3FA5]  }
0x28: {  	s2 =	sld [smem:$0x3FA6]  }
0x29: {  	s4 =	sld [smem:$0x3FA8]  }
0x2a: {  	p0 =	seq.s32 s5, $0x0;
	s5 =	sld [smem:$0x3FA9]  }
0x2b: {  	s6 =	sld [smem:$0x3FAA]  }
0x2c: {  	s7 =	sld [smem:$0x3FAB]  }
0x2d: {  	s3 =	simm.s32 $0x108;
	s8 =	sld [smem:$0x3FAC]  }
0x2e: {  	s3 =	simm.s32 @!p0 $0x1082;
	s9 =	sld [smem:$0x3FAD]  }
0x2f: {  	lr =	sadd.s32 s0, s3;
	s0 =	sld [smem:$0x3FA4]  }
0x30: {  	s3 =	sld [smem:$0x3FA7]  }
0x31: {  	[smem:$0x3FB0] =	sst s10  }
0x32: {  	s10 =	sld [smem:$0x3FAE];
	_ =	sdelay $0x3  }
0x33: {  	p0 =	seq.s32 s10, $0x1;
	s10 =	sld [smem:$0x3FB0];
	_ =	sdelay $0x3  }
0x34: {  	[smem:$0x3FB0] =	sst s10  }
0x35: {  	s10 =	sld [smem:$0x3FAF];
	_ =	sdelay $0x3  }
0x36: {  	p1 =	seq.s32 s10, $0x1;
	s10 =	sld [smem:$0x3FB0];
	_ =	sdelay $0x3  }
0x37: {  	[smem:$0x3FB0] =	sst s10  }
0x38: {  	s10 =	sld [smem:$0x3FB1]  }
0x39: {  	_ = 	snop;
	(pc) =	sbr.ind lr, $3  }
0x3a: {  	_ = 	snop  }
0x3b: {  	_ = 	snop  }
0x3c: {  	p2 =	seq.s32 s10, $0x1;
	s10 =	sld [smem:$0x3FB0]  }
0x3d: {  	_ =	shalt  }
0x3e: {  	_ =	shalt  }
0x3f: {  	_ =	shalt  }
0x40: {  	_ =	shalt  }
0x41: {  	_ =	shalt  }
0x42: {  	_ =	shalt  }
0x43: {  	_ =	shalt  }
0x44: {  	_ =	shalt  }
0x45: {  	_ =	shalt  }
0x46: {  	_ =	shalt  }
0x47: {  	_ =	shalt  }
0x48: {  	_ =	shalt  }
0x49: {  	_ =	shalt  }
0x4a: {  	_ =	shalt  }
0x4b: {  	_ =	shalt  }
0x4c: {  	_ =	shalt  }
0x4d: {  	_ =	shalt  }
0x4e: {  	_ =	shalt  }
0x4f: {  	_ =	shalt  }
0x50: {  	_ =	shalt  }
0x51: {  	_ =	shalt  }
0x52: {  	_ =	shalt  }
0x53: {  	_ =	shalt  }
0x54: {  	_ =	shalt  }
0x55: {  	_ =	shalt  }
0x56: {  	_ =	shalt  }
0x57: {  	_ =	shalt  }
0x58: {  	_ =	shalt  }
0x59: {  	_ =	shalt  }
0x5a: {  	_ =	shalt  }
0x5b: {  	_ =	shalt  }
0x5c: {  	_ =	shalt  }
0x5d: {  	_ =	shalt  }
0x5e: {  	_ =	shalt  }
0x5f: {  	_ =	shalt  }
0x60: {  	_ =	shalt  }
0x61: {  	_ =	shalt  }
0x62: {  	_ =	shalt  }
0x63: {  	_ =	shalt  }
0x64: {  	_ =	shalt  }
0x65: {  	_ =	shalt  }
0x66: {  	_ =	shalt  }
0x67: {  	_ =	shalt  }
0x68: {  	_ =	shalt  }
0x69: {  	_ =	shalt  }
0x6a: {  	_ =	shalt  }
0x6b: {  	_ =	shalt  }
0x6c: {  	_ =	shalt  }
0x6d: {  	_ =	shalt  }
0x6e: {  	_ =	shalt  }
0x6f: {  	_ =	shalt  }
0x70: {  	_ =	shalt  }
0x71: {  	_ =	shalt  }
0x72: {  	_ =	shalt  }
0x73: {  	_ =	shalt  }
0x74: {  	_ =	shalt  }
0x75: {  	_ =	shalt  }
0x76: {  	_ =	shalt  }
0x77: {  	_ =	shalt  }
0x78: {  	_ =	shalt  }
0x79: {  	_ =	shalt  }
0x7a: {  	_ =	shalt  }
0x7b: {  	_ =	shalt  }
0x7c: {  	_ =	shalt  }
0x7d: {  	_ =	shalt  }
0x7e: {  	_ =	shalt  }
0x7f: {  	_ =	shalt  }
0x80: {  	_ =	shalt  }
0x81: {  	_ =	shalt  }
0x82: {  	_ =	shalt  }
0x83: {  	_ =	shalt  }
0x84: {  	_ =	shalt  }
0x85: {  	_ =	shalt  }
0x86: {  	_ =	shalt  }
0x87: {  	_ =	shalt  }
.Lfunc_end0:
.L_simem_size_0:
called_computation.2_lowered:
.L_overlay_start_0:
0x88: {  	s2 =	sld [smem:$0x3FD9]  }
0x89: {  	s3 =	sld [smem:$0x3FFE];
	_ =	sdelay $0x1  }
0x8a: {  	s1 =	srdreg.scid  }
0x8b: {  	s0 =	sand.u32 $0x1, s1  }
0x8c: {  	s17 =	sshll.u32 s0, $0xA;
	s2 =	sadd.s32 s3, s2  }
0x8d: {  	s2 =	sadd.s32 s2, s17  }
0x8e: {  	[smem:$0x3FBC] =	sst s2  }
0x8f: {  	_ = 	snop  }
0x90: {  	s2 =	sld [smem:$0x3FD0];
	(tm) =	ssettm $0x1  }
0x91: {  	s18 =	sld [smem:$0x3FFB];
	_ =	sdelay $0x3  }
0x92: {  	_ =	strace s18  }
0x93: {  	s3 =	sld [smem:$0x3FFC];
	_ =	sdelay $0x3  }
0x94: {  	_ =	strace s3  }
0x95: {  	s3 =	sld [smem:$0x3FFD];
	_ =	sdelay $0x3  }
0x96: {  	_ =	strace s3  }
0x97: {  	_ =	strace $0x8FFFFFFF  }
0x98: {  	s19 =	sld [smem:$0x3FDB];
	_ =	sdelay $0x1  }
0x99: {  	s4 =	simm.s32 $_scs_section_size  }
0x9a: {  	s5 =	simm.s32 $_size__tile_overlayer_lowered;
	s6 =	simm.s32 $_tile_overlayer_lowered  }
0x9b: {  	s22 =	simm.s32 $0x1BFF;
	s21 =	sshll.u32 s6, $0x1;
	s3 =	sadd.s32 s4, s19  }
0x9c: {  	s7 =	simm.s32 $0x0;
	s20 =	sshll.u32 s5, $0x1;
	s5 =	sadd.s32 s21, s3  }
0x9d: {  	[timem:s7], [sflag:s22] =	dma.local [hbm:s5], s20  }
0x9e: {  	_ =	swait.ge [sflag:s22], s20  }
0x9f: {  	s4 =	ssub.s32 $0x0, s20;
	[sflag:s22] =	ssyncset.done $0x0  }
0xa0: {  	[sflag:s22] =	ssyncadd.s32 s4;
	_ =	sdelay $0x1  }
0xa1: {  	s23 =	simm.s32 $0x1B8B  }
0xa2: {  	_ =	swait.ge [sflag:s23], $0x1  }
0xa3: {  	[sflag:s23] =	ssyncset.done $0x0  }
0xa4: {  	s25 =	simm.s32 $0x1B8E;
	s24 =	sld [smem:$0x3FFE];
	[sflag:s23] =	ssyncadd.s32 $0xFFFFFFFF  }
0xa5: {  	s26 =	simm.s32 $execute0_lowered;
	[smem:$0x3FD2] =	sst s25  }
0xa6: {  	s5 =	sshll.u32 s26, $0x1;
	_ =	strace $0x8000004C;
	[dreg:$0x1] =	wrdreg $0xFFFFFFFF  }
0xa7: {  	s28 =	simm.s32 $_size_execute0_lowered;
	s3 =	sadd.s32 s3, s5;
	[dreg:$0x0] =	wrdreg $0x0  }
0xa8: {  	s5 =	sshll.u32 s28, $0x1;
	[dreg:$0x2] =	wrdreg s3  }
0xa9: {  	[dreg:$0x3] =	wrdreg s5  }
0xaa: {  	[dreg:$0x4] =	wrdreg $0xC0  }
0xab: {  	_ =	task [dreg:s7], $0x5FFFF  }
0xac: {  	[dreg:$0x1] =	wrdreg $0xFFFFFFFF  }
0xad: {  	[dreg:$0x0] =	wrdreg $0x60  }
0xae: {  	[dreg:$0x2] =	wrdreg s24  }
0xaf: {  	[dreg:$0x3] =	wrdreg s2  }
0xb0: {  	[dreg:$0x4] =	wrdreg $0x0  }
0xb1: {  	[dreg:$0x5] =	wrdreg $0x9  }
0xb2: {  	_ =	task.clear_ibuf [dreg:s7], $0x6FFFF;
	_ =	strace $0x9000004C  }
0xb3: {  	s29 =	simm.s32 $0x9;
	_ =	strace $0x8000004E  }
0xb4: {  	_ =	swait.ge [sflag:s29], $0x1  }
0xb5: {  	[sflag:s29] =	ssyncadd.s32 $0xFFFFFFFF  }
0xb6: {  	_ =	strace $0x9000004E  }
0xb7: {  	_ =	sfence  }
0xb8: {  	s30 =	sld [smem:$0x0];
	_ =	sdelay $0x2  }
0xb9: {  	s31 =	sshll.u32 s1, $0xD;
	s1 =	sshrl.u32 s1, $0x2  }
0xba: {  	s3 =	sand.u32 $0x4000, s31;
	s1 =	sadd.s32 s1, s30  }
0xbb: {  	s0 =	sor.u32 s3, s0;
	s1 =	sshll.u32 s1, $0x11  }
0xbc: {  	s0 =	sor.u32 s1, s0  }
0xbd: {  	s0 =	sadd.s32 $0x8F2B, s0  }
0xbe: {  	[sflag:s0] =	ssyncadd.remote.s32 $0x1  }
0xbf: {  	_ =	sfence.sel $0xFFFF  }
0xc0: {  	[dreg:$0x0] =	wrdreg $0xFFFFFFFF;
	(pc) =	sbr.abs _section_cstart, $3  }
0xc1: {  	[dreg:$0x1] =	wrdreg $0xFFFFFFFF  }
0xc2: {  	_ =	task.clear_ibuf [dreg:s7], $0x2FFFF;
	_ =	strace $0x9FFFFFFF  }
0xc3: {  	(tm) =	ssettm $0x7FFFFFFF  }
tec
execute0_lowered:
.L_overlay_start_1:
0x0: {  	(tag) =	ssettag $0x1  }
0x1: {  	s5 =	rddreg [dreg:$0x0]  }
0x2: {  	s8 =	rddreg [dreg:$0x1]  }
0x3: {  	s0 =	srdreg.scid;
	s2 =	rddreg [dreg:$0x2]  }
0x4: {  	s3 =	simm.s32 $0x0;
	s6 =	sand.u32 $0x1, s0;
	s0 =	stileid.u32  }
0x5: {  	s15 =	simm.s32 $0x19000;
	[smem:$0x7FF] =	sst s3;
	s16 =	smul.u32 $0x2800, s0  }
0x6: {  	s1 =	sshll.u32 s6, $0x4;
	s7 =	smul.u32 $0x28000, s6;
	s6 =	ssub.s32 $0x2, s6  }
0x7: {  	s11 =	smul.u32 $0x50000, s0;
	s31 =	sshll.u32 s0, $0x6;
	s4 =	sor.u32 s0, s1  }
0x8: {  	s1 =	rddreg [dreg:$0x3];
	_ =	strace $0x8000004D;
	s29 =	sshrl.u32 s6, $0x1  }
0x9: {  	s9 =	smul.u32 $0x500, s4;
	s4 =	sadd.s32 $0x86E00, s5;
	s12 =	sadd.s32 s16, s5  }
0xa: {  	s13 =	sadd.s32 s7, s5;
	s14 =	ssub.s32 s6, s29;
	s30 =	sshrl.u32 s11, $0x2  }
0xb: {  	s6 =	sor.u32 $0x1C01, s31;
	s11 =	sadd.s32 s30, s2;
	s17 =	sadd.s32 $0xAEE00, s13  }
0xc: {  	s13 =	simm.s32 $0x16800;
	s10 =	sadd.s32 s9, s5;
	s5 =	sadd.s32 $0x4600, s12  }
0xd: {  	s8 =	sadd.s32 s8, s9;
	s9 =	smax.u32 s14, $0x1;
	s12 =	simm.s32 $0x14000  }
0xe: {  	s14 =	simm.s32 $0x80;
	s16 =	sadd.s32 s16, s17;
	s17 =	simm.s32 $0x0  }
0xf: {  	s7 =	sadd.s32 $0x7CE00, s10;
	s10 =	sshrl.u32 s11, $0x3;
	s11 =	simm.s32 $0x1  }
.LBB2_1:
0x10: {  	[spmem:s10], [sflag:s6] =	dma.local [hbm:s5], $0x2800  }
0x11: {  	_ =	swait.ge [sflag:s11], $0x2800  }
0x12: {  	[sflag:s11] =	ssyncset.done $0x0  }
0x13: {  	[sflag:s11] =	ssyncadd.s32 $0xFFFFD800  }
0x14: {  	[tilespmem:s12], [sflag:$0x1] =	stream.linear.gather [hbm4b:s7+s3], $0x2780, $0x38;
	[tilespmem:$0x1D000] =	vst v63  }
0x15: {  	_ =	swait.ge [sflag:s11], $0x2780  }
0x16: {  	[sflag:s11] =	ssyncset.done $0x0  }
0x17: {  	[sflag:s11] =	ssyncadd.s32 $0xFFFFD880  }
0x18: {  	[tilespmem:s13], [sflag:$0x1] =	stream.linear.gather [hbm4b:s8+s3], $0x2780, $0x38;
	[tilespmem:$0x1D000] =	vst v63  }
0x19: {  	_ =	swait.ge [sflag:s11], $0x2780  }
0x1a: {  	[sflag:s11] =	ssyncset.done $0x0  }
0x1b: {  	[sflag:s11] =	ssyncadd.s32 $0xFFFFD880  }
0x1c: {  	s18 =	simm.s32 $0x14000;
	[bflag:$0x0] =	sbarrier.arrive $0xFFFF  }
0x1d: {  	[tilespmem:s15], [sflag:$0x1] =	stream.indirect.gather [hbm4b:s4+s14], $0x80, s18, s14, $0xb8;
	[tilespmem:$0x1D000] =	vst v63  }
0x1e: {  	_ =	swait.ge [sflag:s11], $0x4000  }
0x1f: {  	[sflag:s11] =	ssyncset.done $0x0  }
0x20: {  	s31 =	simm.s32 $0x16800;
	[sflag:s11] =	ssyncadd.s32 $0xFFFFC000  }
0x21: {  	[spmem:s2] =	stream.indirect.scatter.add.f32 [tilespmem:s15], [sflag:$0x1], $0x80, s31, s14, $0xb8;
	[tilespmem:$0x1D000] =	vst v63  }
0x22: {  	_ =	swait.ge [sflag:s11], $0x4000  }
0x23: {  	s19 =	simm.s32 $0x400;
	s18 =	simm.s32 $0x80;
	[sflag:s11] =	ssyncset.done $0x0  }
.LBB2_2:
0x24: {  	s20 =	sadd.s32 $0x14000, s18  }
0x25: {  	[sflag:s11] =	ssyncadd.s32 $0xFFFFC000;
	s21 =	smov.u32 s19;
	s22 =	sadd.s32 $0x200, s19  }
0x26: {  	[tilespmem:s15], [sflag:$0x1] =	stream.indirect.gather [hbm4b:s4+s14], $0x80, s20, s14, $0xb8;
	[tilespmem:$0x1D000] =	vst v63  }
0x27: {  	p0 =	sne.s32 s19, $0x9C00;
	_ =	swait.ge [sflag:s11], $0x4000  }
.Ltmp0:
0x28: {  	[sflag:s11] =	ssyncset.done $0x0;
	(pc) =	sbr.rel @p0 .LBB2_2-.Ltmp0, $4  }
0x29: {  	s18 =	sadd.s32 $0x16800, s18;
	[sflag:s11] =	ssyncadd.s32 $0xFFFFC000  }
0x2a: {  	[spmem:s2] =	stream.indirect.scatter.add.f32 [tilespmem:s15], [sflag:$0x1], $0x80, s18, s14, $0xb8;
	[tilespmem:$0x1D000] =	vst v63  }
0x2b: {  	_ =	swait.ge [sflag:s11], $0x4000  }
0x2c: {  	s19 =	smov.u32 s22;
	s18 =	sshra.s32 s21, $0x2;
	[sflag:s11] =	ssyncset.done $0x0  }
0x2d: {  	s19 =	sadd.s32 $0x14000, s18;
	[sflag:s11] =	ssyncadd.s32 $0xFFFFC000  }
0x2e: {  	[tilespmem:s15], [sflag:$0x1] =	stream.indirect.gather [hbm4b:s4+s14], $0x80, s19, s14, $0xb8;
	[tilespmem:$0x1D000] =	vst v63  }
0x2f: {  	_ =	swait.ge [sflag:s11], $0x4000  }
0x30: {  	[sflag:s11] =	ssyncset.done $0x0  }
0x31: {  	s31 =	sadd.s32 $0x16800, s18;
	[sflag:s11] =	ssyncadd.s32 $0xFFFFC000  }
0x32: {  	[spmem:s2] =	stream.indirect.scatter.add.f32 [tilespmem:s15], [sflag:$0x1], $0x80, s31, s14, $0xb8;
	[tilespmem:$0x1D000] =	vst v63  }
0x33: {  	_ =	swait.ge [sflag:s11], $0x4000  }
0x34: {  	s17 =	sadd.s32 $0x1, s17;
	[sflag:s11] =	ssyncset.done $0x0  }
0x35: {  	p0 =	sne.s32 s17, s9;
	[sflag:s11] =	ssyncadd.s32 $0xFFFFC000  }
.Ltmp1:
0x36: {  	[bflag:$0x0] =	sbarrier.arrive $0xFFFF;
	(pc) =	sbr.rel @p0 .LBB2_1-.Ltmp1, $4  }
0x37: {  	[hbm:s16], [sflag:s6] =	dma.local [spmem:s10], $0x2800  }
0x38: {  	_ =	swait.ge [sflag:s11], $0x2800  }
0x39: {  	[sflag:s11] =	ssyncset.done $0x0  }
0x3a: {  	[sflag:s11] =	ssyncadd.s32 $0xFFFFD800  }
0x3b: {  	_ =	sfence.sel $0x180000  }
0x3c: {  	[bflag:$0x0] =	sbarrier.arrive $0xFFFF  }
0x3d: {  	p0 =	sne.s32 s0, $0x0;
	_ =	strace $0x9000004D  }
0x3e: {  	s0 =	sadd.s32 @!p0 $0x100000, s1;
	[bflag:$0x2] =	sbarrier.arrive $0xFFFF  }
0x3f: {  	[sflag:s0] =	ssyncadd.tile.s32 @!p0 $0x1;
	_ =	shalt  }
.Lfunc_end2:
_tile_overlayer_lowered:
.L_overlay_start_2:
0x40: {  	(tag) =	ssettag $0x2  }
0x41: {  	s0 =	rddreg [dreg:$0x0];
	s2 =	stileid.u32  }
0x42: {  	s1 =	rddreg [dreg:$0x1];
	p0 =	sne.s32 s2, $0x0  }
0x43: {  	s3 =	rddreg [dreg:$0x2];
	[bflag:$0x3] =	sbarrier.arrive $0xFFFF;
	s2 =	simm.s32 @!p0 $0x1C01  }
0x44: {  	[timem:s3], [sflag:s2] =	dma.local @!p0 [hbm:s0], s1  }
0x45: {  	s0 =	simm.s32 @!p0 $0x1  }
0x46: {  	_ =	swait.ge @!p0 [sflag:s0], s1  }
0x47: {  	s1 =	ssub.s32 @!p0 $0x0, s1;
	[sflag:s0] =	ssyncset.done @!p0 $0x0  }
0x48: {  	[sflag:s0] =	ssyncadd.s32 @!p0 s1  }
0x49: {  	[bflag:$0x3] =	sbarrier.arrive $0xFFFF  }
0x4a: {  	_ =	shalt  }

// kernel: kernel.19.cloned.1.call-start
scs
__scs_entry_jumppad:
0x0: {  	(pc) =	sbr.rel $0x88, $3  }
0x1: {  	(tag) =	ssettag $0x0;
	lr =	simm.s32 $0x1  }
0x2: {  	[smem:$0x3F95] =	sst lr;
	_ =	strace $0xD0000000  }
0x3: {  	_ = 	snop  }
0x4: {  	_ = 	snop  }
0x5: {  	_ = 	snop  }
0x6: {  	_ = 	snop  }
0x7: {  	_ = 	snop  }
__scs_overlays_trampoline_lowered:
0x8: {  	[smem:$0x3FA4] =	sst s0  }
0x9: {  	[smem:$0x3FA5] =	sst s1  }
0xa: {  	[smem:$0x3FA6] =	sst s2  }
0xb: {  	[smem:$0x3FA7] =	sst s3  }
0xc: {  	[smem:$0x3FA8] =	sst s4  }
0xd: {  	[smem:$0x3FA9] =	sst s5  }
0xe: {  	[smem:$0x3FAA] =	sst s6  }
0xf: {  	[smem:$0x3FAB] =	sst s7  }
0x10: {  	[smem:$0x3FAC] =	sst s8  }
0x11: {  	[smem:$0x3FAD] =	sst s9;
	s0 =	simm.s32 @!p0 $0x0  }
0x12: {  	s1 =	sld [smem:$0x3F93];
	s0 =	simm.s32 @p0 $0x1  }
0x13: {  	[smem:$0x3FAE] =	sst s0;
	s0 =	simm.s32 @!p1 $0x0  }
0x14: {  	s2 =	sld [smem:$0x3F92];
	s0 =	simm.s32 @p1 $0x1  }
0x15: {  	[smem:$0x3FAF] =	sst s0;
	s0 =	simm.s32 @!p2 $0x0  }
0x16: {  	s3 =	sld [smem:$0x3FDB];
	s0 =	simm.s32 @p2 $0x1  }
0x17: {  	s4 =	simm.s32 $0x1BF5;
	[smem:$0x3FB1] =	sst s0  }
0x18: {  	s0 =	sld [smem:$0x3F94];
	_ =	swait.ge [sflag:s4], $0x0  }
0x19: {  	s7 =	sld [smem:$0x3F95]  }
0x1a: {  	s8 =	sadd.s32 $0xFFFFE003, lr  }
0x1b: {  	s9 =	sadd.s32 $0xFFFFFEF7, lr;
	s5 =	simm.s32 $0xFFFFFFFF;
	p2 =	slt.u32 s8, $0xFFFFF086  }
0x1c: {  	p1 =	slt.u32 s9, $0xF7A;
	s5 =	simm.s32 @!p2 $0x0  }
0x1d: {  	s5 =	simm.s32 @p1 $0x1;
	p0 =	seq.s32 s7, s2  }
0x1e: {  	s7 =	smul.u32 @!p0 $0xF7A, s2;
	p2 =	seq.s32 @!p0 s5, $0x0  }
0x1f: {  	s9 =	smul.u32 $0xF7A, s1;
	s8 =	simm.s32 @!p0 $0x1BF5;
	p2 =	por !p2, p0  }
0x20: {  	[sflag:s8] =	ssyncset.s32 @!p0 $0xFFFFF086;
	s6 =	sadd.s32 @!p0 s3, s7;
	s7 =	simm.s32 @!p0 $0x108  }
0x21: {  	s3 =	sadd.s32 s3, s9;
	s6 =	sadd.s32 @!p0 $0x88, s6;
	s7 =	simm.s32 @p2 $0x1082  }
0x22: {  	[simem:s7], [sflag:s8] =	dma.local @!p0 [hbm:s6], $0xF7A  }
0x23: {  	s9 =	sor.u32 $0xD0000000, s2;
	s6 =	simm.s32 $0x108;
	_ =	swait.ge @!p0 [sflag:s8], $0x0  }
0x24: {  	s3 =	sadd.s32 $0x88, s3;
	s6 =	simm.s32 @!p1 $0x1082;
	[sflag:s4] =	ssyncset.s32 $0xFFFFF086  }
0x25: {  	[simem:s6], [sflag:s4] =	dma.local [hbm:s3], $0xF7A  }
0x26: {  	[smem:$0x3F95] =	sst s1;
	(tag) =	ssettag s2;
	_ =	strace s9  }
0x27: {  	s1 =	sld [smem:$0x3FA5]  }
0x28: {  	s2 =	sld [smem:$0x3FA6]  }
0x29: {  	s4 =	sld [smem:$0x3FA8]  }
0x2a: {  	p0 =	seq.s32 s5, $0x0;
	s5 =	sld [smem:$0x3FA9]  }
0x2b: {  	s6 =	sld [smem:$0x3FAA]  }
0x2c: {  	s7 =	sld [smem:$0x3FAB]  }
0x2d: {  	s3 =	simm.s32 $0x108;
	s8 =	sld [smem:$0x3FAC]  }
0x2e: {  	s3 =	simm.s32 @!p0 $0x1082;
	s9 =	sld [smem:$0x3FAD]  }
0x2f: {  	lr =	sadd.s32 s0, s3;
	s0 =	sld [smem:$0x3FA4]  }
0x30: {  	s3 =	sld [smem:$0x3FA7]  }
0x31: {  	[smem:$0x3FB0] =	sst s10  }
0x32: {  	s10 =	sld [smem:$0x3FAE];
	_ =	sdelay $0x3  }
0x33: {  	p0 =	seq.s32 s10, $0x1;
	s10 =	sld [smem:$0x3FB0];
	_ =	sdelay $0x3  }
0x34: {  	[smem:$0x3FB0] =	sst s10  }
0x35: {  	s10 =	sld [smem:$0x3FAF];
	_ =	sdelay $0x3  }
0x36: {  	p1 =	seq.s32 s10, $0x1;
	s10 =	sld [smem:$0x3FB0];
	_ =	sdelay $0x3  }
0x37: {  	[smem:$0x3FB0] =	sst s10  }
0x38: {  	s10 =	sld [smem:$0x3FB1]  }
0x39: {  	_ = 	snop;
	(pc) =	sbr.ind lr, $3  }
0x3a: {  	_ = 	snop  }
0x3b: {  	_ = 	snop  }
0x3c: {  	p2 =	seq.s32 s10, $0x1;
	s10 =	sld [smem:$0x3FB0]  }
0x3d: {  	_ =	shalt  }
0x3e: {  	_ =	shalt  }
0x3f: {  	_ =	shalt  }
0x40: {  	_ =	shalt  }
0x41: {  	_ =	shalt  }
0x42: {  	_ =	shalt  }
0x43: {  	_ =	shalt  }
0x44: {  	_ =	shalt  }
0x45: {  	_ =	shalt  }
0x46: {  	_ =	shalt  }
0x47: {  	_ =	shalt  }
0x48: {  	_ =	shalt  }
0x49: {  	_ =	shalt  }
0x4a: {  	_ =	shalt  }
0x4b: {  	_ =	shalt  }
0x4c: {  	_ =	shalt  }
0x4d: {  	_ =	shalt  }
0x4e: {  	_ =	shalt  }
0x4f: {  	_ =	shalt  }
0x50: {  	_ =	shalt  }
0x51: {  	_ =	shalt  }
0x52: {  	_ =	shalt  }
0x53: {  	_ =	shalt  }
0x54: {  	_ =	shalt  }
0x55: {  	_ =	shalt  }
0x56: {  	_ =	shalt  }
0x57: {  	_ =	shalt  }
0x58: {  	_ =	shalt  }
0x59: {  	_ =	shalt  }
0x5a: {  	_ =	shalt  }
0x5b: {  	_ =	shalt  }
0x5c: {  	_ =	shalt  }
0x5d: {  	_ =	shalt  }
0x5e: {  	_ =	shalt  }
0x5f: {  	_ =	shalt  }
0x60: {  	_ =	shalt  }
0x61: {  	_ =	shalt  }
0x62: {  	_ =	shalt  }
0x63: {  	_ =	shalt  }
0x64: {  	_ =	shalt  }
0x65: {  	_ =	shalt  }
0x66: {  	_ =	shalt  }
0x67: {  	_ =	shalt  }
0x68: {  	_ =	shalt  }
0x69: {  	_ =	shalt  }
0x6a: {  	_ =	shalt  }
0x6b: {  	_ =	shalt  }
0x6c: {  	_ =	shalt  }
0x6d: {  	_ =	shalt  }
0x6e: {  	_ =	shalt  }
0x6f: {  	_ =	shalt  }
0x70: {  	_ =	shalt  }
0x71: {  	_ =	shalt  }
0x72: {  	_ =	shalt  }
0x73: {  	_ =	shalt  }
0x74: {  	_ =	shalt  }
0x75: {  	_ =	shalt  }
0x76: {  	_ =	shalt  }
0x77: {  	_ =	shalt  }
0x78: {  	_ =	shalt  }
0x79: {  	_ =	shalt  }
0x7a: {  	_ =	shalt  }
0x7b: {  	_ =	shalt  }
0x7c: {  	_ =	shalt  }
0x7d: {  	_ =	shalt  }
0x7e: {  	_ =	shalt  }
0x7f: {  	_ =	shalt  }
0x80: {  	_ =	shalt  }
0x81: {  	_ =	shalt  }
0x82: {  	_ =	shalt  }
0x83: {  	_ =	shalt  }
0x84: {  	_ =	shalt  }
0x85: {  	_ =	shalt  }
0x86: {  	_ =	shalt  }
0x87: {  	_ =	shalt  }
.Lfunc_end0:
.L_simem_size_0:
called_computation.3_lowered:
.L_overlay_start_0:
0x88: {  	s2 =	sld [smem:$0x3FD9]  }
0x89: {  	s3 =	sld [smem:$0x3FFE];
	_ =	sdelay $0x1  }
0x8a: {  	s1 =	srdreg.scid  }
0x8b: {  	s0 =	sand.u32 $0x1, s1  }
0x8c: {  	s17 =	sshll.u32 s0, $0xA;
	s2 =	sadd.s32 s3, s2  }
0x8d: {  	s2 =	sadd.s32 s2, s17  }
0x8e: {  	[smem:$0x3FBC] =	sst s2  }
0x8f: {  	_ = 	snop  }
0x90: {  	s2 =	sld [smem:$0x3FD0];
	(tm) =	ssettm $0x1  }
0x91: {  	s18 =	sld [smem:$0x3FFB];
	_ =	sdelay $0x3  }
0x92: {  	_ =	strace s18  }
0x93: {  	s3 =	sld [smem:$0x3FFC];
	_ =	sdelay $0x3  }
0x94: {  	_ =	strace s3  }
0x95: {  	s3 =	sld [smem:$0x3FFD];
	_ =	sdelay $0x3  }
0x96: {  	_ =	strace s3  }
0x97: {  	_ =	strace $0x8FFFFFFF  }
0x98: {  	s19 =	sld [smem:$0x3FDB];
	_ =	sdelay $0x1  }
0x99: {  	s4 =	simm.s32 $_scs_section_size  }
0x9a: {  	s5 =	simm.s32 $_size__tile_overlayer_lowered;
	s6 =	simm.s32 $_tile_overlayer_lowered  }
0x9b: {  	s22 =	simm.s32 $0x1BFF;
	s21 =	sshll.u32 s6, $0x1;
	s3 =	sadd.s32 s4, s19  }
0x9c: {  	s7 =	simm.s32 $0x0;
	s20 =	sshll.u32 s5, $0x1;
	s5 =	sadd.s32 s21, s3  }
0x9d: {  	[timem:s7], [sflag:s22] =	dma.local [hbm:s5], s20  }
0x9e: {  	_ =	swait.ge [sflag:s22], s20  }
0x9f: {  	s4 =	ssub.s32 $0x0, s20;
	[sflag:s22] =	ssyncset.done $0x0  }
0xa0: {  	[sflag:s22] =	ssyncadd.s32 s4;
	_ =	sdelay $0x1  }
0xa1: {  	s23 =	simm.s32 $0x1B8B  }
0xa2: {  	_ =	swait.ge [sflag:s23], $0x1  }
0xa3: {  	[sflag:s23] =	ssyncset.done $0x0  }
0xa4: {  	s25 =	simm.s32 $0x1B8E;
	s24 =	sld [smem:$0x3FFE];
	[sflag:s23] =	ssyncadd.s32 $0xFFFFFFFF  }
0xa5: {  	s26 =	simm.s32 $execute0_lowered;
	[smem:$0x3FD2] =	sst s25  }
0xa6: {  	s5 =	sshll.u32 s26, $0x1;
	_ =	strace $0x8000004F;
	[dreg:$0x1] =	wrdreg $0xFFFFFFFF  }
0xa7: {  	s28 =	simm.s32 $_size_execute0_lowered;
	s3 =	sadd.s32 s3, s5;
	[dreg:$0x0] =	wrdreg $0x0  }
0xa8: {  	s5 =	sshll.u32 s28, $0x1;
	[dreg:$0x2] =	wrdreg s3  }
0xa9: {  	[dreg:$0x3] =	wrdreg s5  }
0xaa: {  	[dreg:$0x4] =	wrdreg $0xC0  }
0xab: {  	_ =	task [dreg:s7], $0x5FFFF  }
0xac: {  	[dreg:$0x1] =	wrdreg $0xFFFFFFFF  }
0xad: {  	[dreg:$0x0] =	wrdreg $0x60  }
0xae: {  	[dreg:$0x2] =	wrdreg s24  }
0xaf: {  	[dreg:$0x3] =	wrdreg s2  }
0xb0: {  	[dreg:$0x4] =	wrdreg $0x0  }
0xb1: {  	[dreg:$0x5] =	wrdreg $0x9  }
0xb2: {  	_ =	task.clear_ibuf [dreg:s7], $0x6FFFF;
	_ =	strace $0x9000004F  }
0xb3: {  	s29 =	simm.s32 $0x9;
	_ =	strace $0x80000051  }
0xb4: {  	_ =	swait.ge [sflag:s29], $0x1  }
0xb5: {  	[sflag:s29] =	ssyncadd.s32 $0xFFFFFFFF  }
0xb6: {  	_ =	strace $0x90000051  }
0xb7: {  	_ =	sfence  }
0xb8: {  	s30 =	sld [smem:$0x0];
	_ =	sdelay $0x2  }
0xb9: {  	s31 =	sshll.u32 s1, $0xD;
	s1 =	sshrl.u32 s1, $0x2  }
0xba: {  	s3 =	sand.u32 $0x4000, s31;
	s1 =	sadd.s32 s1, s30  }
0xbb: {  	s0 =	sor.u32 s3, s0;
	s1 =	sshll.u32 s1, $0x11  }
0xbc: {  	s0 =	sor.u32 s1, s0  }
0xbd: {  	s0 =	sadd.s32 $0x8F2B, s0  }
0xbe: {  	[sflag:s0] =	ssyncadd.remote.s32 $0x1  }
0xbf: {  	_ =	sfence.sel $0xFFFF  }
0xc0: {  	[dreg:$0x0] =	wrdreg $0xFFFFFFFF;
	(pc) =	sbr.abs _section_cstart, $3  }
0xc1: {  	[dreg:$0x1] =	wrdreg $0xFFFFFFFF  }
0xc2: {  	_ =	task.clear_ibuf [dreg:s7], $0x2FFFF;
	_ =	strace $0x9FFFFFFF  }
0xc3: {  	(tm) =	ssettm $0x7FFFFFFF  }
tec
execute0_lowered:
.L_overlay_start_1:
0x0: {  	(tag) =	ssettag $0x1  }
0x1: {  	s5 =	rddreg [dreg:$0x0]  }
0x2: {  	s8 =	rddreg [dreg:$0x1]  }
0x3: {  	s0 =	srdreg.scid;
	s2 =	rddreg [dreg:$0x2]  }
0x4: {  	s3 =	simm.s32 $0x0;
	s6 =	sand.u32 $0x1, s0;
	s0 =	stileid.u32  }
0x5: {  	s15 =	simm.s32 $0x19000;
	[smem:$0x7FF] =	sst s3;
	s16 =	smul.u32 $0x2800, s0  }
0x6: {  	s1 =	sshll.u32 s6, $0x4;
	s7 =	smul.u32 $0x28000, s6;
	s6 =	ssub.s32 $0x2, s6  }
0x7: {  	s11 =	smul.u32 $0x50000, s0;
	s31 =	sshll.u32 s0, $0x6;
	s4 =	sor.u32 s0, s1  }
0x8: {  	s1 =	rddreg [dreg:$0x3];
	_ =	strace $0x80000050;
	s29 =	sshrl.u32 s6, $0x1  }
0x9: {  	s9 =	smul.u32 $0x500, s4;
	s4 =	sadd.s32 $0x86E00, s5;
	s12 =	sadd.s32 s16, s5  }
0xa: {  	s13 =	sadd.s32 s7, s5;
	s14 =	ssub.s32 s6, s29;
	s30 =	sshrl.u32 s11, $0x2  }
0xb: {  	s6 =	sor.u32 $0x1C01, s31;
	s11 =	sadd.s32 s30, s2;
	s17 =	sadd.s32 $0xAEE00, s13  }
0xc: {  	s13 =	simm.s32 $0x16800;
	s10 =	sadd.s32 s9, s5;
	s5 =	sadd.s32 $0x4600, s12  }
0xd: {  	s8 =	sadd.s32 s8, s9;
	s9 =	smax.u32 s14, $0x1;
	s12 =	simm.s32 $0x14000  }
0xe: {  	s14 =	simm.s32 $0x80;
	s16 =	sadd.s32 s16, s17;
	s17 =	simm.s32 $0x0  }
0xf: {  	s7 =	sadd.s32 $0x7CE00, s10;
	s10 =	sshrl.u32 s11, $0x3;
	s11 =	simm.s32 $0x1  }
.LBB2_1:
0x10: {  	[spmem:s10], [sflag:s6] =	dma.local [hbm:s5], $0x2800  }
0x11: {  	_ =	swait.ge [sflag:s11], $0x2800  }
0x12: {  	[sflag:s11] =	ssyncset.done $0x0  }
0x13: {  	[sflag:s11] =	ssyncadd.s32 $0xFFFFD800  }
0x14: {  	[tilespmem:s12], [sflag:$0x1] =	stream.linear.gather [hbm4b:s7+s3], $0x2780, $0x38;
	[tilespmem:$0x1D000] =	vst v63  }
0x15: {  	_ =	swait.ge [sflag:s11], $0x2780  }
0x16: {  	[sflag:s11] =	ssyncset.done $0x0  }
0x17: {  	[sflag:s11] =	ssyncadd.s32 $0xFFFFD880  }
0x18: {  	[tilespmem:s13], [sflag:$0x1] =	stream.linear.gather [hbm4b:s8+s3], $0x2780, $0x38;
	[tilespmem:$0x1D000] =	vst v63  }
0x19: {  	_ =	swait.ge [sflag:s11], $0x2780  }
0x1a: {  	[sflag:s11] =	ssyncset.done $0x0  }
0x1b: {  	[sflag:s11] =	ssyncadd.s32 $0xFFFFD880  }
0x1c: {  	s18 =	simm.s32 $0x14000;
	[bflag:$0x0] =	sbarrier.arrive $0xFFFF  }
0x1d: {  	[tilespmem:s15], [sflag:$0x1] =	stream.indirect.gather [hbm4b:s4+s14], $0x80, s18, s14, $0xb8;
	[tilespmem:$0x1D000] =	vst v63  }
0x1e: {  	_ =	swait.ge [sflag:s11], $0x4000  }
0x1f: {  	[sflag:s11] =	ssyncset.done $0x0  }
0x20: {  	s31 =	simm.s32 $0x16800;
	[sflag:s11] =	ssyncadd.s32 $0xFFFFC000  }
0x21: {  	[spmem:s2] =	stream.indirect.scatter.add.f32 [tilespmem:s15], [sflag:$0x1], $0x80, s31, s14, $0xb8;
	[tilespmem:$0x1D000] =	vst v63  }
0x22: {  	_ =	swait.ge [sflag:s11], $0x4000  }
0x23: {  	s19 =	simm.s32 $0x400;
	s18 =	simm.s32 $0x80;
	[sflag:s11] =	ssyncset.done $0x0  }
.LBB2_2:
0x24: {  	s20 =	sadd.s32 $0x14000, s18  }
0x25: {  	[sflag:s11] =	ssyncadd.s32 $0xFFFFC000;
	s21 =	smov.u32 s19;
	s22 =	sadd.s32 $0x200, s19  }
0x26: {  	[tilespmem:s15], [sflag:$0x1] =	stream.indirect.gather [hbm4b:s4+s14], $0x80, s20, s14, $0xb8;
	[tilespmem:$0x1D000] =	vst v63  }
0x27: {  	p0 =	sne.s32 s19, $0x9C00;
	_ =	swait.ge [sflag:s11], $0x4000  }
.Ltmp0:
0x28: {  	[sflag:s11] =	ssyncset.done $0x0;
	(pc) =	sbr.rel @p0 .LBB2_2-.Ltmp0, $4  }
0x29: {  	s18 =	sadd.s32 $0x16800, s18;
	[sflag:s11] =	ssyncadd.s32 $0xFFFFC000  }
0x2a: {  	[spmem:s2] =	stream.indirect.scatter.add.f32 [tilespmem:s15], [sflag:$0x1], $0x80, s18, s14, $0xb8;
	[tilespmem:$0x1D000] =	vst v63  }
0x2b: {  	_ =	swait.ge [sflag:s11], $0x4000  }
0x2c: {  	s19 =	smov.u32 s22;
	s18 =	sshra.s32 s21, $0x2;
	[sflag:s11] =	ssyncset.done $0x0  }
0x2d: {  	s19 =	sadd.s32 $0x14000, s18;
	[sflag:s11] =	ssyncadd.s32 $0xFFFFC000  }
0x2e: {  	[tilespmem:s15], [sflag:$0x1] =	stream.indirect.gather [hbm4b:s4+s14], $0x80, s19, s14, $0xb8;
	[tilespmem:$0x1D000] =	vst v63  }
0x2f: {  	_ =	swait.ge [sflag:s11], $0x4000  }
0x30: {  	[sflag:s11] =	ssyncset.done $0x0  }
0x31: {  	s31 =	sadd.s32 $0x16800, s18;
	[sflag:s11] =	ssyncadd.s32 $0xFFFFC000  }
0x32: {  	[spmem:s2] =	stream.indirect.scatter.add.f32 [tilespmem:s15], [sflag:$0x1], $0x80, s31, s14, $0xb8;
	[tilespmem:$0x1D000] =	vst v63  }
0x33: {  	_ =	swait.ge [sflag:s11], $0x4000  }
0x34: {  	s17 =	sadd.s32 $0x1, s17;
	[sflag:s11] =	ssyncset.done $0x0  }
0x35: {  	p0 =	sne.s32 s17, s9;
	[sflag:s11] =	ssyncadd.s32 $0xFFFFC000  }
.Ltmp1:
0x36: {  	[bflag:$0x0] =	sbarrier.arrive $0xFFFF;
	(pc) =	sbr.rel @p0 .LBB2_1-.Ltmp1, $4  }
0x37: {  	[hbm:s16], [sflag:s6] =	dma.local [spmem:s10], $0x2800  }
0x38: {  	_ =	swait.ge [sflag:s11], $0x2800  }
0x39: {  	[sflag:s11] =	ssyncset.done $0x0  }
0x3a: {  	[sflag:s11] =	ssyncadd.s32 $0xFFFFD800  }
0x3b: {  	_ =	sfence.sel $0x180000  }
0x3c: {  	[bflag:$0x0] =	sbarrier.arrive $0xFFFF  }
0x3d: {  	p0 =	sne.s32 s0, $0x0;
	_ =	strace $0x90000050  }
0x3e: {  	s0 =	sadd.s32 @!p0 $0x100000, s1;
	[bflag:$0x2] =	sbarrier.arrive $0xFFFF  }
0x3f: {  	[sflag:s0] =	ssyncadd.tile.s32 @!p0 $0x1;
	_ =	shalt  }
.Lfunc_end2:
_tile_overlayer_lowered:
.L_overlay_start_2:
0x40: {  	(tag) =	ssettag $0x2  }
0x41: {  	s0 =	rddreg [dreg:$0x0];
	s2 =	stileid.u32  }
0x42: {  	s1 =	rddreg [dreg:$0x1];
	p0 =	sne.s32 s2, $0x0  }
0x43: {  	s3 =	rddreg [dreg:$0x2];
	[bflag:$0x3] =	sbarrier.arrive $0xFFFF;
	s2 =	simm.s32 @!p0 $0x1C01  }
0x44: {  	[timem:s3], [sflag:s2] =	dma.local @!p0 [hbm:s0], s1  }
0x45: {  	s0 =	simm.s32 @!p0 $0x1  }
0x46: {  	_ =	swait.ge @!p0 [sflag:s0], s1  }
0x47: {  	s1 =	ssub.s32 @!p0 $0x0, s1;
	[sflag:s0] =	ssyncset.done @!p0 $0x0  }
0x48: {  	[sflag:s0] =	ssyncadd.s32 @!p0 s1  }
0x49: {  	[bflag:$0x3] =	sbarrier.arrive $0xFFFF  }
0x4a: {  	_ =	shalt  }

</sc_bundles>
